<compile_context>
chip_gen: v7x
topology: tpu7x:2x2x1
jax: 0.10.2.dev20260603
libtpu: 0.0.44.dev20260713+nightly
codegen_flags: <defaults>
</compile_context>

<pallas_src>
import functools

import jax
import jax.numpy as jnp
from jax import lax
from jax.experimental import pallas as pl
from jax.experimental.pallas import tpu as pltpu
from jax.experimental.pallas import tpu_sc as plsc

N = 16384
D = 2048
C = 8
K = int(D * 0.1)
R = 512
HSZ = 16400


def _stage1_body(x_ref, oh_ref, out_ref):
    step = pl.program_id(0)
    x = x_ref[...]
    iota = jax.lax.broadcasted_iota(jnp.int32, (R, D), 1)

    def as_f32(v):
        return jax.lax.bitcast_convert_type(
            jnp.where(v < 0, v ^ jnp.int32(0x7FFFFFFF), v), jnp.float32)

    def count_gt_f(vf):
        return jnp.sum((x > vf).astype(jnp.int32), axis=1, keepdims=True)

    def step1(state):
        lo, hi = state
        mid = (lo & hi) + ((lo ^ hi) >> 1)
        ge = count_gt_f(as_f32(mid)) >= K
        return jnp.where(ge, mid, lo), jnp.where(ge, hi, mid)

    e_lo = jax.lax.bitcast_convert_type(jnp.float32(1.05), jnp.int32)
    e_hi = e_lo + jnp.int32(0x00400000)
    lo_ok = count_gt_f(jnp.float32(1.05)) >= K
    hi_ok = count_gt_f(jax.lax.bitcast_convert_type(e_hi, jnp.float32)) < K
    imin = jnp.full((R, 1), jnp.iinfo(jnp.int32).min, jnp.int32)
    imax = jnp.full((R, 1), jnp.iinfo(jnp.int32).max, jnp.int32)
    state = (jnp.where(lo_ok, e_lo, imin), jnp.where(hi_ok, e_hi, imax))

    state = jax.lax.fori_loop(0, 11, lambda _, s: step1(step1(s)), state)
    state = jax.lax.cond(
        jnp.any(state[1] != state[0] + 1),
        lambda s: jax.lax.fori_loop(0, 16, lambda _, t_: step1(step1(t_)), s),
        lambda s: s,
        state)
    lo, hi = state
    t_f = as_f32(hi)
    gt = x > t_f
    eq = x == t_f
    cnt_gt = jnp.sum(gt.astype(jnp.int32), axis=1, keepdims=True)
    cnt_eq = jnp.sum(eq.astype(jnp.int32), axis=1, keepdims=True)
    need = K - cnt_gt

    def body2(_, lohi):
        lo2, hi2 = lohi
        mid = (lo2 + hi2) >> 1
        c2 = jnp.sum((eq & (iota < mid)).astype(jnp.int32), axis=1, keepdims=True)
        le = c2 <= need
        return jnp.where(le, mid, lo2), jnp.where(le, hi2, mid)

    def run_idx_bisect(_):
        lo2_0 = jnp.zeros((R, 1), jnp.int32)
        hi2_0 = jnp.full((R, 1), D + 1, jnp.int32)
        lo2, _ = jax.lax.fori_loop(0, 12, body2, (lo2_0, hi2_0))
        return lo2

    lo2 = jax.lax.cond(
        jnp.any((need > 0) & (need < cnt_eq)),
        run_idx_bisect,
        lambda _: jnp.where(need == cnt_eq, jnp.int32(D), jnp.int32(0)),
        None)
    mask = gt | (eq & (iota < lo2))
    mf = mask.astype(jnp.float32)

    upd = jnp.dot(oh_ref[...], mf, preferred_element_type=jnp.float32)

    @pl.when(step == 0)
    def _():
        out_ref[...] = jnp.zeros_like(out_ref)

    out_ref[...] += upd


def _stage2_sc_body(counts_hbm, out_hbm, cnt_v, hist_v, oidx_v, ocnt_v):
    wid = lax.axis_index("s") * 2 + lax.axis_index("c")

    @pl.when(wid < C)
    def _():
        pltpu.sync_copy(counts_hbm.at[wid], cnt_v)
        lane = lax.iota(jnp.int32, 16)
        ones = jnp.ones((16,), jnp.int32)

        def zero_blk(i, carry):
            hist_v[pl.ds(i * 16, 16)] = jnp.zeros((16,), jnp.int32)
            return carry

        lax.fori_loop(0, HSZ // 16, zero_blk, 0)

        def hist_blk(i, acc):
            cvf = cnt_v[pl.ds(i * 16, 16)]
            plsc.addupdate_scatter(hist_v, [cvf.astype(jnp.int32)], ones)
            return acc + cvf

        acc = lax.fori_loop(0, D // 16, hist_blk, jnp.zeros((16,), jnp.float32))
        total = jnp.sum(acc)

        def suffix_blk(j, carry):
            i = HSZ // 16 - 1 - j
            blk = hist_v[pl.ds(i * 16, 16)]
            incl = plsc.cumsum(blk)
            tot = jnp.sum(blk)
            hist_v[pl.ds(i * 16, 16)] = carry + (tot - incl)
            return carry + tot

        lax.fori_loop(0, HSZ // 16, suffix_blk, jnp.int32(0))

        def place_blk(i, carry):
            cvf = cnt_v[pl.ds(i * 16, 16)]
            cv = cvf.astype(jnp.int32)
            base = plsc.load_gather(hist_v, [cv])
            intra = jnp.zeros((16,), jnp.int32)
            for s in range(1, 16):
                g = cv.at[(lane - s) & 15].get(mode="promise_in_bounds")
                intra += jnp.where((g == cv) & (lane >= s), 1, 0)
            pos = base + intra
            dvec = (lane + i * 16).astype(jnp.float32)
            plsc.store_scatter(oidx_v, [pos], dvec)
            plsc.store_scatter(ocnt_v, [pos], cvf / total)
            plsc.addupdate_scatter(hist_v, [cv], ones)
            return carry

        lax.fori_loop(0, D // 16, place_blk, 0)
        pltpu.sync_copy(oidx_v, out_hbm.at[wid, 0])
        pltpu.sync_copy(ocnt_v, out_hbm.at[wid, 1])


@functools.cache
def _stage2_sc():
    return pl.kernel(
        _stage2_sc_body,
        mesh=plsc.VectorSubcoreMesh(core_axis_name="c", subcore_axis_name="s"),
        out_type=jax.ShapeDtypeStruct((C, 2, D), jnp.float32),
        scratch_types=[
            pltpu.VMEM((D,), jnp.float32),
            pltpu.VMEM((HSZ,), jnp.int32),
            pltpu.VMEM((D,), jnp.float32),
            pltpu.VMEM((D,), jnp.float32),
        ],
        compiler_params=pltpu.CompilerParams(needs_layout_passes=False),
    )


def kernel(max_activation_val, class_labels):
    onehot = (jnp.arange(C, dtype=jnp.int32)[:, None]
              == class_labels[None, :]).astype(jnp.float32)

    counts = pl.pallas_call(
        _stage1_body,
        grid=(N // R,),
        in_specs=[
            pl.BlockSpec((R, D), lambda i: (i, 0)),
            pl.BlockSpec((C, R), lambda i: (0, i)),
        ],
        out_specs=pl.BlockSpec((C, D), lambda i: (0, 0)),
        out_shape=jax.ShapeDtypeStruct((C, D), jnp.float32),
        compiler_params=pltpu.CompilerParams(
            dimension_semantics=("arbitrary",)),
    )(max_activation_val, onehot)

    return _stage2_sc()(counts)

# --- scband reference (transcript-rebuilt; emitter-appended) ---
"""Pipeline reference for scband-selective-feature-model-4088808865882 (READ-ONLY COPY).

The authoritative reference and input builder live on the scoring server;
editing this copy changes nothing except your own understanding.
"""

import jax, jax.numpy as jnp
import numpy as np

FEATURE_PERCENTAGE = 0.1
NUM_CLASSES = 8
N = 16384
D = 2048

def setup_inputs(seed: int = 0) -> dict:
    key = jax.random.key(seed)
    k1, k2 = jax.random.split(key)
    max_activation_val = jax.random.normal(k1, (N, D), dtype=jnp.float32)
    class_labels = jax.random.randint(k2, (N,), 0, NUM_CLASSES, dtype=jnp.int32)
    return {"max_activation_val": max_activation_val, "class_labels": class_labels}

def reference(max_activation_val, class_labels):
    # Faithful translation of SelectiveFeatureModel.forward.
    # class_labels are integer sub-class ids (stand-in for the string labels);
    # per class: sort activations descending per row, keep top feature_percentage
    # indices, count index repetitions (bincount == unique+counts over a dense
    # index range), sort counts descending, normalize.
    d = max_activation_val.shape[1]
    reduced_range = int(d * FEATURE_PERCENTAGE)
    # descending sort indices (torch.sort(..., descending=True)); per-row result
    # is independent of which rows belong to the class, so compute once.
    max_idx = jnp.argsort(-max_activation_val, axis=1)
    top_max_idx = max_idx[:, :reduced_range]
    outs = []
    for c in range(NUM_CLASSES):
        in_class = (class_labels == c)
        num_rows = jnp.sum(in_class).astype(jnp.float32)
        # unique + counts over dense index range [0, D), restricted to rows of
        # class c via a masked scatter-add (same counts as bincount over the
        # gathered rows).
        weights = jnp.broadcast_to(in_class[:, None], top_max_idx.shape)
        repetitions = jnp.zeros((d,), dtype=jnp.int32).at[top_max_idx.ravel()].add(
            weights.ravel().astype(jnp.int32)
        )
        order = jnp.argsort(-repetitions)
        sorted_repetition = repetitions[order].astype(jnp.float32)
        sorted_idx = order.astype(jnp.float32)
        sorted_idx_normalized = sorted_repetition / num_rows
        sorted_idx_normalized = sorted_idx_normalized / sorted_idx_normalized.sum()
        outs.append(jnp.concatenate([sorted_idx[None, :], sorted_idx_normalized[None, :]], axis=0))
    return jnp.stack(outs)  # [NUM_CLASSES, 2, D]

if __name__ == "__main__":
    import jax
    _d = setup_inputs()
    print(jax.jit(kernel)(*tuple(_d.values())))

</pallas_src>

<mosaic_0001>
#map = affine_map<(d0, d1) -> (0, 0)>
#map1 = affine_map<(d0, d1) -> (0, 0, 0)>
module attributes {stable_mosaic.version = 14 : i64} {
  func.func @_stage2_sc_body(%arg0: i32, %arg1: i32, %arg2: memref<8x2048xf32, #tpu.memory_space<hbm>>, %arg3: memref<8x2x2048xf32, #tpu.memory_space<hbm>>, %arg4: memref<2048xf32, #tpu.memory_space<vmem>>, %arg5: memref<16400xi32, #tpu.memory_space<vmem>>, %arg6: memref<2048xf32, #tpu.memory_space<vmem>>, %arg7: memref<2048xf32, #tpu.memory_space<vmem>>) attributes {dimension_semantics = [#tpu.dimension_semantics<core_parallel>, #tpu.dimension_semantics<subcore_parallel>], iteration_bounds = array<i64: 2, 16>, scalar_prefetch = 0 : i64, scratch_operands = 4 : i64, tpu.core_type = #tpu.core_type<sc_vector_subcore>, window_params = [{transform_indices = #map}, {transform_indices = #map1}]} {
    %mul3A = arith.constant 2 : i32
    %mul3A_0 = arith.muli %arg1, %mul3A : i32
    %add3A = arith.addi %mul3A_0, %arg0 : i32
    %lt3A = arith.constant 8 : i32
    %lt3A_1 = arith.cmpi slt, %add3A, %lt3A : i32
    %convert_element_type3A = arith.extui %lt3A_1 : i1 to i32
    %cond3A = arith.constant 0 : i32
    %cond3A_2 = arith.cmpi ne, %convert_element_type3A, %cond3A : i32
    scf.if %cond3A_2 {
      "tpu.region"() ({
        %run_scoped3A_34 = tpu.sem_alloc : memref<!tpu.dma_semaphore, #tpu.memory_space<semaphore_mem>>
        %dma_start3A = arith.constant 0 : i32
        %dma_start3A_35 = tpu.memref_slice %arg2[%add3A, %dma_start3A] : memref<8x2048xf32, #tpu.memory_space<hbm>> -> memref<1x2048xf32, #tpu.memory_space<hbm>>
        %dma_start3A_36 = tpu.memref_squeeze %dma_start3A_35 : memref<1x2048xf32, #tpu.memory_space<hbm>> -> memref<2048xf32, #tpu.memory_space<hbm>>
        %dma_start3A_37 = arith.constant 0 : i32
        %dma_start3A_38 = tpu.memref_slice %arg2[%add3A, %dma_start3A_37] : memref<8x2048xf32, #tpu.memory_space<hbm>> -> memref<1x2048xf32, #tpu.memory_space<hbm>>
        %dma_start3A_39 = tpu.memref_squeeze %dma_start3A_38 : memref<1x2048xf32, #tpu.memory_space<hbm>> -> memref<2048xf32, #tpu.memory_space<hbm>>
        tpu.enqueue_dma source(%dma_start3A_39 : memref<2048xf32, #tpu.memory_space<hbm>>) target(%arg4 : memref<2048xf32, #tpu.memory_space<vmem>>) target_semaphore(%run_scoped3A_34 : memref<!tpu.dma_semaphore, #tpu.memory_space<semaphore_mem>>)
        %dma_wait3A = arith.constant 0 : i32
        %dma_wait3A_40 = tpu.memref_slice %arg2[%add3A, %dma_wait3A] : memref<8x2048xf32, #tpu.memory_space<hbm>> -> memref<1x2048xf32, #tpu.memory_space<hbm>>
        %dma_wait3A_41 = tpu.memref_squeeze %dma_wait3A_40 : memref<1x2048xf32, #tpu.memory_space<hbm>> -> memref<2048xf32, #tpu.memory_space<hbm>>
        %dma_wait3A_42 = arith.constant 0 : i32
        %dma_wait3A_43 = tpu.memref_slice %arg2[%add3A, %dma_wait3A_42] : memref<8x2048xf32, #tpu.memory_space<hbm>> -> memref<1x2048xf32, #tpu.memory_space<hbm>>
        %dma_wait3A_44 = tpu.memref_squeeze %dma_wait3A_43 : memref<1x2048xf32, #tpu.memory_space<hbm>> -> memref<2048xf32, #tpu.memory_space<hbm>>
        tpu.wait_dma2 semaphore(%run_scoped3A_34 : memref<!tpu.dma_semaphore, #tpu.memory_space<semaphore_mem>>) src(%dma_wait3A_44 : memref<2048xf32, #tpu.memory_space<hbm>>) dst(%arg4 : memref<2048xf32, #tpu.memory_space<vmem>>)
        tpu.yield
      }) : () -> ()
      %iota3A = tpu.iota {dimensions = array<i32: 0>} : vector<16xi32>
      %broadcast_in_dim3A = arith.constant 1 : i32
      %broadcast_in_dim3A_3 = vector.broadcast %broadcast_in_dim3A : i32 to vector<16xi32>
      %scan3A = arith.constant 0 : i32
      %scan3A_4 = arith.constant 0 : i32
      %scan3A_5 = arith.constant 1025 : i32
      %scan3A_6 = arith.addi %scan3A_4, %scan3A_5 : i32
      %scan3A_7 = arith.constant 1 : i32
      scf.for %scan3A_34 = %scan3A_4 to %scan3A_6 step %scan3A_7  : i32 {
        %broadcast_in_dim3A_35 = arith.constant 0 : i32
        %broadcast_in_dim3A_36 = vector.broadcast %broadcast_in_dim3A_35 : i32 to vector<16xi32>
        %mul3A_37 = arith.constant 16 : i32
        %mul3A_38 = arith.muli %scan3A_34, %mul3A_37 : i32
        %swap3A = arith.index_cast %mul3A_38 : i32 to index
        %swap3A_39 = tpu.vector_load %arg5[%swap3A] {strides = array<i32>} : memref<16400xi32, #tpu.memory_space<vmem>>, vector<16xi32>,
        tpu.vector_store %arg5[%swap3A], %broadcast_in_dim3A_36 {strides = array<i32>} : memref<16400xi32, #tpu.memory_space<vmem>>, vector<16xi32>,
      }
      %scan3A_8 = arith.constant 1025 : i32
      %broadcast_in_dim3A_9 = arith.constant 0.000000e+00 : f32
      %broadcast_in_dim3A_10 = vector.broadcast %broadcast_in_dim3A_9 : f32 to vector<16xf32>
      %scan3A_11 = arith.constant 0 : i32
      %scan3A_12 = arith.constant 128 : i32
      %scan3A_13 = arith.addi %scan3A_11, %scan3A_12 : i32
      %scan3A_14 = arith.constant 1 : i32
      %scan3A_15 = scf.for %scan3A_34 = %scan3A_11 to %scan3A_13 step %scan3A_14 iter_args(%scan3A_35 = %broadcast_in_dim3A_10) -> (vector<16xf32>)  : i32 {
        %mul3A_36 = arith.constant 16 : i32
        %mul3A_37 = arith.muli %scan3A_34, %mul3A_36 : i32
        %get3A = arith.index_cast %mul3A_37 : i32 to index
        %get3A_38 = tpu.vector_load %arg4[%get3A] {strides = array<i32>} : memref<2048xf32, #tpu.memory_space<vmem>>, vector<16xf32>,
        %convert_element_type3A_39 = arith.fptosi %get3A_38 : vector<16xf32> to vector<16xi32>
        tpu.vector_store_idx %arg5[%convert_element_type3A_39], %broadcast_in_dim3A_3 {add = true} : memref<16400xi32, #tpu.memory_space<vmem>>[vector<16xi32>], vector<16xi32>,
        %add3A_40 = arith.addf %scan3A_35, %get3A_38 : vector<16xf32>
        scf.yield %add3A_40 : vector<16xf32>
      }
      %scan3A_16 = arith.constant 128 : i32
      %reduce_sum3A = arith.constant true
      %reduce_sum3A_17 = vector.broadcast %reduce_sum3A : i1 to vector<16xi1>
      %reduce_sum3A_18 = tpu.scan <sum>, %scan3A_15 masked %reduce_sum3A_17 : vector<16xf32>, vector<16xi1> -> vector<16xf32>
      %reduce_sum3A_19 = vector.extract %reduce_sum3A_18[15] : f32 from vector<16xf32>
      %scan3A_20 = arith.constant 0 : i32
      %scan3A_21 = arith.constant 0 : i32
      %scan3A_22 = arith.constant 1025 : i32
      %scan3A_23 = arith.addi %scan3A_21, %scan3A_22 : i32
      %scan3A_24 = arith.constant 1 : i32
      %scan3A_25 = scf.for %scan3A_34 = %scan3A_21 to %scan3A_23 step %scan3A_24 iter_args(%scan3A_35 = %scan3A_20) -> (i32)  : i32 {
        %sub3A = arith.constant 1024 : i32
        %sub3A_36 = arith.subi %sub3A, %scan3A_34 : i32
        %mul3A_37 = arith.constant 16 : i32
        %mul3A_38 = arith.muli %sub3A_36, %mul3A_37 : i32
        %get3A = arith.index_cast %mul3A_38 : i32 to index
        %get3A_39 = tpu.vector_load %arg5[%get3A] {strides = array<i32>} : memref<16400xi32, #tpu.memory_space<vmem>>, vector<16xi32>,
        %broadcast_in_dim3A_40 = arith.constant true
        %broadcast_in_dim3A_41 = vector.broadcast %broadcast_in_dim3A_40 : i1 to vector<16xi1>
        %masked_cumsum3A = tpu.scan <sum>, %get3A_39 masked %broadcast_in_dim3A_41 : vector<16xi32>, vector<16xi1> -> vector<16xi32>
        %reduce_sum3A_42 = arith.constant true
        %reduce_sum3A_43 = vector.broadcast %reduce_sum3A_42 : i1 to vector<16xi1>
        %reduce_sum3A_44 = tpu.scan <sum>, %get3A_39 masked %reduce_sum3A_43 : vector<16xi32>, vector<16xi1> -> vector<16xi32>
        %reduce_sum3A_45 = vector.extract %reduce_sum3A_44[15] : i32 from vector<16xi32>
        %sub3A_46 = vector.broadcast %reduce_sum3A_45 : i32 to vector<16xi32>
        %sub3A_47 = arith.subi %sub3A_46, %masked_cumsum3A : vector<16xi32>
        %add3A_48 = vector.broadcast %scan3A_35 : i32 to vector<16xi32>
        %add3A_49 = arith.addi %add3A_48, %sub3A_47 : vector<16xi32>
        %mul3A_50 = arith.constant 16 : i32
        %mul3A_51 = arith.muli %sub3A_36, %mul3A_50 : i32
        %swap3A = arith.index_cast %mul3A_51 : i32 to index
        %swap3A_52 = tpu.vector_load %arg5[%swap3A] {strides = array<i32>} : memref<16400xi32, #tpu.memory_space<vmem>>, vector<16xi32>,
        tpu.vector_store %arg5[%swap3A], %add3A_49 {strides = array<i32>} : memref<16400xi32, #tpu.memory_space<vmem>>, vector<16xi32>,
        %add3A_53 = arith.addi %scan3A_35, %reduce_sum3A_45 : i32
        scf.yield %add3A_53 : i32
      }
      %scan3A_26 = arith.constant 1025 : i32
      %scan3A_27 = arith.constant 0 : i32
      %scan3A_28 = arith.constant 0 : i32
      %scan3A_29 = arith.constant 128 : i32
      %scan3A_30 = arith.addi %scan3A_28, %scan3A_29 : i32
      %scan3A_31 = arith.constant 1 : i32
      scf.for %scan3A_34 = %scan3A_28 to %scan3A_30 step %scan3A_31  : i32 {
        %mul3A_35 = arith.constant 16 : i32
        %mul3A_36 = arith.muli %scan3A_34, %mul3A_35 : i32
        %get3A = arith.index_cast %mul3A_36 : i32 to index
        %get3A_37 = tpu.vector_load %arg4[%get3A] {strides = array<i32>} : memref<2048xf32, #tpu.memory_space<vmem>>, vector<16xf32>,
        %convert_element_type3A_38 = arith.fptosi %get3A_37 : vector<16xf32> to vector<16xi32>
        %gather3A = tpu.vector_load_idx %arg5[%convert_element_type3A_38] : memref<16400xi32, #tpu.memory_space<vmem>>[vector<16xi32>], vector<16xi32>,
        %broadcast_in_dim3A_39 = arith.constant 0 : i32
        %broadcast_in_dim3A_40 = vector.broadcast %broadcast_in_dim3A_39 : i32 to vector<16xi32>
        %sub3A = arith.constant 1 : i32
        %sub3A_41 = vector.broadcast %sub3A : i32 to vector<16xi32>
        %sub3A_42 = arith.subi %iota3A, %sub3A_41 : vector<16xi32>
        %and3A = arith.constant 15 : i32
        %and3A_43 = vector.broadcast %and3A : i32 to vector<16xi32>
        %and3A_44 = arith.andi %sub3A_42, %and3A_43 : vector<16xi32>
        %lt3A_45 = arith.constant 0 : i32
        %lt3A_46 = vector.broadcast %lt3A_45 : i32 to vector<16xi32>
        %lt3A_47 = arith.cmpi slt, %and3A_44, %lt3A_46 : vector<16xi32>
        %add3A_48 = arith.constant 16 : i32
        %add3A_49 = vector.broadcast %add3A_48 : i32 to vector<16xi32>
        %add3A_50 = arith.addi %and3A_44, %add3A_49 : vector<16xi32>
        %select_n3A = arith.select %lt3A_47, %add3A_50, %and3A_44 : vector<16xi1>, vector<16xi32>
        %broadcast_in_dim3A_51 = vector.shape_cast %select_n3A : vector<16xi32> to vector<16x1xi32>
        %gather3A_52 = vector.shape_cast %broadcast_in_dim3A_51 : vector<16x1xi32> to vector<16xi32>
        %gather3A_53 = tpu.dynamic_gather %convert_element_type3A_38[%gather3A_52] in [0] : vector<16xi32>, vector<16xi32> -> vector<16xi32>
        %eq3A = arith.cmpi eq, %gather3A_53, %convert_element_type3A_38 : vector<16xi32>
        %ge3A = arith.constant 1 : i32
        %ge3A_54 = vector.broadcast %ge3A : i32 to vector<16xi32>
        %ge3A_55 = arith.cmpi sge, %iota3A, %ge3A_54 : vector<16xi32>
        %and3A_56 = arith.andi %eq3A, %ge3A_55 : vector<16xi1>
        %jit3A = arith.constant 1 : i32
        %jit3A_57 = arith.constant 0 : i32
        %broadcast_in_dim3A_58 = vector.broadcast %jit3A : i32 to vector<16xi32>
        %broadcast_in_dim3A_59 = vector.broadcast %jit3A_57 : i32 to vector<16xi32>
        %select_n3A_60 = arith.select %and3A_56, %broadcast_in_dim3A_58, %broadcast_in_dim3A_59 : vector<16xi1>, vector<16xi32>
        %add3A_61 = arith.addi %broadcast_in_dim3A_40, %select_n3A_60 : vector<16xi32>
        %sub3A_62 = arith.constant 2 : i32
        %sub3A_63 = vector.broadcast %sub3A_62 : i32 to vector<16xi32>
        %sub3A_64 = arith.subi %iota3A, %sub3A_63 : vector<16xi32>
        %and3A_65 = arith.constant 15 : i32
        %and3A_66 = vector.broadcast %and3A_65 : i32 to vector<16xi32>
        %and3A_67 = arith.andi %sub3A_64, %and3A_66 : vector<16xi32>
        %lt3A_68 = arith.constant 0 : i32
        %lt3A_69 = vector.broadcast %lt3A_68 : i32 to vector<16xi32>
        %lt3A_70 = arith.cmpi slt, %and3A_67, %lt3A_69 : vector<16xi32>
        %add3A_71 = arith.constant 16 : i32
        %add3A_72 = vector.broadcast %add3A_71 : i32 to vector<16xi32>
        %add3A_73 = arith.addi %and3A_67, %add3A_72 : vector<16xi32>
        %select_n3A_74 = arith.select %lt3A_70, %add3A_73, %and3A_67 : vector<16xi1>, vector<16xi32>
        %broadcast_in_dim3A_75 = vector.shape_cast %select_n3A_74 : vector<16xi32> to vector<16x1xi32>
        %gather3A_76 = vector.shape_cast %broadcast_in_dim3A_75 : vector<16x1xi32> to vector<16xi32>
        %gather3A_77 = tpu.dynamic_gather %convert_element_type3A_38[%gather3A_76] in [0] : vector<16xi32>, vector<16xi32> -> vector<16xi32>
        %eq3A_78 = arith.cmpi eq, %gather3A_77, %convert_element_type3A_38 : vector<16xi32>
        %ge3A_79 = arith.constant 2 : i32
        %ge3A_80 = vector.broadcast %ge3A_79 : i32 to vector<16xi32>
        %ge3A_81 = arith.cmpi sge, %iota3A, %ge3A_80 : vector<16xi32>
        %and3A_82 = arith.andi %eq3A_78, %ge3A_81 : vector<16xi1>
        %jit3A_83 = arith.constant 1 : i32
        %jit3A_84 = arith.constant 0 : i32
        %broadcast_in_dim3A_85 = vector.broadcast %jit3A_83 : i32 to vector<16xi32>
        %broadcast_in_dim3A_86 = vector.broadcast %jit3A_84 : i32 to vector<16xi32>
        %select_n3A_87 = arith.select %and3A_82, %broadcast_in_dim3A_85, %broadcast_in_dim3A_86 : vector<16xi1>, vector<16xi32>
        %add3A_88 = arith.addi %add3A_61, %select_n3A_87 : vector<16xi32>
        %sub3A_89 = arith.constant 3 : i32
        %sub3A_90 = vector.broadcast %sub3A_89 : i32 to vector<16xi32>
        %sub3A_91 = arith.subi %iota3A, %sub3A_90 : vector<16xi32>
        %and3A_92 = arith.constant 15 : i32
        %and3A_93 = vector.broadcast %and3A_92 : i32 to vector<16xi32>
        %and3A_94 = arith.andi %sub3A_91, %and3A_93 : vector<16xi32>
        %lt3A_95 = arith.constant 0 : i32
        %lt3A_96 = vector.broadcast %lt3A_95 : i32 to vector<16xi32>
        %lt3A_97 = arith.cmpi slt, %and3A_94, %lt3A_96 : vector<16xi32>
        %add3A_98 = arith.constant 16 : i32
        %add3A_99 = vector.broadcast %add3A_98 : i32 to vector<16xi32>
        %add3A_100 = arith.addi %and3A_94, %add3A_99 : vector<16xi32>
        %select_n3A_101 = arith.select %lt3A_97, %add3A_100, %and3A_94 : vector<16xi1>, vector<16xi32>
        %broadcast_in_dim3A_102 = vector.shape_cast %select_n3A_101 : vector<16xi32> to vector<16x1xi32>
        %gather3A_103 = vector.shape_cast %broadcast_in_dim3A_102 : vector<16x1xi32> to vector<16xi32>
        %gather3A_104 = tpu.dynamic_gather %convert_element_type3A_38[%gather3A_103] in [0] : vector<16xi32>, vector<16xi32> -> vector<16xi32>
        %eq3A_105 = arith.cmpi eq, %gather3A_104, %convert_element_type3A_38 : vector<16xi32>
        %ge3A_106 = arith.constant 3 : i32
        %ge3A_107 = vector.broadcast %ge3A_106 : i32 to vector<16xi32>
        %ge3A_108 = arith.cmpi sge, %iota3A, %ge3A_107 : vector<16xi32>
        %and3A_109 = arith.andi %eq3A_105, %ge3A_108 : vector<16xi1>
        %jit3A_110 = arith.constant 1 : i32
        %jit3A_111 = arith.constant 0 : i32
        %broadcast_in_dim3A_112 = vector.broadcast %jit3A_110 : i32 to vector<16xi32>
        %broadcast_in_dim3A_113 = vector.broadcast %jit3A_111 : i32 to vector<16xi32>
        %select_n3A_114 = arith.select %and3A_109, %broadcast_in_dim3A_112, %broadcast_in_dim3A_113 : vector<16xi1>, vector<16xi32>
        %add3A_115 = arith.addi %add3A_88, %select_n3A_114 : vector<16xi32>
        %sub3A_116 = arith.constant 4 : i32
        %sub3A_117 = vector.broadcast %sub3A_116 : i32 to vector<16xi32>
        %sub3A_118 = arith.subi %iota3A, %sub3A_117 : vector<16xi32>
        %and3A_119 = arith.constant 15 : i32
        %and3A_120 = vector.broadcast %and3A_119 : i32 to vector<16xi32>
        %and3A_121 = arith.andi %sub3A_118, %and3A_120 : vector<16xi32>
        %lt3A_122 = arith.constant 0 : i32
        %lt3A_123 = vector.broadcast %lt3A_122 : i32 to vector<16xi32>
        %lt3A_124 = arith.cmpi slt, %and3A_121, %lt3A_123 : vector<16xi32>
        %add3A_125 = arith.constant 16 : i32
        %add3A_126 = vector.broadcast %add3A_125 : i32 to vector<16xi32>
        %add3A_127 = arith.addi %and3A_121, %add3A_126 : vector<16xi32>
        %select_n3A_128 = arith.select %lt3A_124, %add3A_127, %and3A_121 : vector<16xi1>, vector<16xi32>
        %broadcast_in_dim3A_129 = vector.shape_cast %select_n3A_128 : vector<16xi32> to vector<16x1xi32>
        %gather3A_130 = vector.shape_cast %broadcast_in_dim3A_129 : vector<16x1xi32> to vector<16xi32>
        %gather3A_131 = tpu.dynamic_gather %convert_element_type3A_38[%gather3A_130] in [0] : vector<16xi32>, vector<16xi32> -> vector<16xi32>
        %eq3A_132 = arith.cmpi eq, %gather3A_131, %convert_element_type3A_38 : vector<16xi32>
        %ge3A_133 = arith.constant 4 : i32
        %ge3A_134 = vector.broadcast %ge3A_133 : i32 to vector<16xi32>
        %ge3A_135 = arith.cmpi sge, %iota3A, %ge3A_134 : vector<16xi32>
        %and3A_136 = arith.andi %eq3A_132, %ge3A_135 : vector<16xi1>
        %jit3A_137 = arith.constant 1 : i32
        %jit3A_138 = arith.constant 0 : i32
        %broadcast_in_dim3A_139 = vector.broadcast %jit3A_137 : i32 to vector<16xi32>
        %broadcast_in_dim3A_140 = vector.broadcast %jit3A_138 : i32 to vector<16xi32>
        %select_n3A_141 = arith.select %and3A_136, %broadcast_in_dim3A_139, %broadcast_in_dim3A_140 : vector<16xi1>, vector<16xi32>
        %add3A_142 = arith.addi %add3A_115, %select_n3A_141 : vector<16xi32>
        %sub3A_143 = arith.constant 5 : i32
        %sub3A_144 = vector.broadcast %sub3A_143 : i32 to vector<16xi32>
        %sub3A_145 = arith.subi %iota3A, %sub3A_144 : vector<16xi32>
        %and3A_146 = arith.constant 15 : i32
        %and3A_147 = vector.broadcast %and3A_146 : i32 to vector<16xi32>
        %and3A_148 = arith.andi %sub3A_145, %and3A_147 : vector<16xi32>
        %lt3A_149 = arith.constant 0 : i32
        %lt3A_150 = vector.broadcast %lt3A_149 : i32 to vector<16xi32>
        %lt3A_151 = arith.cmpi slt, %and3A_148, %lt3A_150 : vector<16xi32>
        %add3A_152 = arith.constant 16 : i32
        %add3A_153 = vector.broadcast %add3A_152 : i32 to vector<16xi32>
        %add3A_154 = arith.addi %and3A_148, %add3A_153 : vector<16xi32>
        %select_n3A_155 = arith.select %lt3A_151, %add3A_154, %and3A_148 : vector<16xi1>, vector<16xi32>
        %broadcast_in_dim3A_156 = vector.shape_cast %select_n3A_155 : vector<16xi32> to vector<16x1xi32>
        %gather3A_157 = vector.shape_cast %broadcast_in_dim3A_156 : vector<16x1xi32> to vector<16xi32>
        %gather3A_158 = tpu.dynamic_gather %convert_element_type3A_38[%gather3A_157] in [0] : vector<16xi32>, vector<16xi32> -> vector<16xi32>
        %eq3A_159 = arith.cmpi eq, %gather3A_158, %convert_element_type3A_38 : vector<16xi32>
        %ge3A_160 = arith.constant 5 : i32
        %ge3A_161 = vector.broadcast %ge3A_160 : i32 to vector<16xi32>
        %ge3A_162 = arith.cmpi sge, %iota3A, %ge3A_161 : vector<16xi32>
        %and3A_163 = arith.andi %eq3A_159, %ge3A_162 : vector<16xi1>
        %jit3A_164 = arith.constant 1 : i32
        %jit3A_165 = arith.constant 0 : i32
        %broadcast_in_dim3A_166 = vector.broadcast %jit3A_164 : i32 to vector<16xi32>
        %broadcast_in_dim3A_167 = vector.broadcast %jit3A_165 : i32 to vector<16xi32>
        %select_n3A_168 = arith.select %and3A_163, %broadcast_in_dim3A_166, %broadcast_in_dim3A_167 : vector<16xi1>, vector<16xi32>
        %add3A_169 = arith.addi %add3A_142, %select_n3A_168 : vector<16xi32>
        %sub3A_170 = arith.constant 6 : i32
        %sub3A_171 = vector.broadcast %sub3A_170 : i32 to vector<16xi32>
        %sub3A_172 = arith.subi %iota3A, %sub3A_171 : vector<16xi32>
        %and3A_173 = arith.constant 15 : i32
        %and3A_174 = vector.broadcast %and3A_173 : i32 to vector<16xi32>
        %and3A_175 = arith.andi %sub3A_172, %and3A_174 : vector<16xi32>
        %lt3A_176 = arith.constant 0 : i32
        %lt3A_177 = vector.broadcast %lt3A_176 : i32 to vector<16xi32>
        %lt3A_178 = arith.cmpi slt, %and3A_175, %lt3A_177 : vector<16xi32>
        %add3A_179 = arith.constant 16 : i32
        %add3A_180 = vector.broadcast %add3A_179 : i32 to vector<16xi32>
        %add3A_181 = arith.addi %and3A_175, %add3A_180 : vector<16xi32>
        %select_n3A_182 = arith.select %lt3A_178, %add3A_181, %and3A_175 : vector<16xi1>, vector<16xi32>
        %broadcast_in_dim3A_183 = vector.shape_cast %select_n3A_182 : vector<16xi32> to vector<16x1xi32>
        %gather3A_184 = vector.shape_cast %broadcast_in_dim3A_183 : vector<16x1xi32> to vector<16xi32>
        %gather3A_185 = tpu.dynamic_gather %convert_element_type3A_38[%gather3A_184] in [0] : vector<16xi32>, vector<16xi32> -> vector<16xi32>
        %eq3A_186 = arith.cmpi eq, %gather3A_185, %convert_element_type3A_38 : vector<16xi32>
        %ge3A_187 = arith.constant 6 : i32
        %ge3A_188 = vector.broadcast %ge3A_187 : i32 to vector<16xi32>
        %ge3A_189 = arith.cmpi sge, %iota3A, %ge3A_188 : vector<16xi32>
        %and3A_190 = arith.andi %eq3A_186, %ge3A_189 : vector<16xi1>
        %jit3A_191 = arith.constant 1 : i32
        %jit3A_192 = arith.constant 0 : i32
        %broadcast_in_dim3A_193 = vector.broadcast %jit3A_191 : i32 to vector<16xi32>
        %broadcast_in_dim3A_194 = vector.broadcast %jit3A_192 : i32 to vector<16xi32>
        %select_n3A_195 = arith.select %and3A_190, %broadcast_in_dim3A_193, %broadcast_in_dim3A_194 : vector<16xi1>, vector<16xi32>
        %add3A_196 = arith.addi %add3A_169, %select_n3A_195 : vector<16xi32>
        %sub3A_197 = arith.constant 7 : i32
        %sub3A_198 = vector.broadcast %sub3A_197 : i32 to vector<16xi32>
        %sub3A_199 = arith.subi %iota3A, %sub3A_198 : vector<16xi32>
        %and3A_200 = arith.constant 15 : i32
        %and3A_201 = vector.broadcast %and3A_200 : i32 to vector<16xi32>
        %and3A_202 = arith.andi %sub3A_199, %and3A_201 : vector<16xi32>
        %lt3A_203 = arith.constant 0 : i32
        %lt3A_204 = vector.broadcast %lt3A_203 : i32 to vector<16xi32>
        %lt3A_205 = arith.cmpi slt, %and3A_202, %lt3A_204 : vector<16xi32>
        %add3A_206 = arith.constant 16 : i32
        %add3A_207 = vector.broadcast %add3A_206 : i32 to vector<16xi32>
        %add3A_208 = arith.addi %and3A_202, %add3A_207 : vector<16xi32>
        %select_n3A_209 = arith.select %lt3A_205, %add3A_208, %and3A_202 : vector<16xi1>, vector<16xi32>
        %broadcast_in_dim3A_210 = vector.shape_cast %select_n3A_209 : vector<16xi32> to vector<16x1xi32>
        %gather3A_211 = vector.shape_cast %broadcast_in_dim3A_210 : vector<16x1xi32> to vector<16xi32>
        %gather3A_212 = tpu.dynamic_gather %convert_element_type3A_38[%gather3A_211] in [0] : vector<16xi32>, vector<16xi32> -> vector<16xi32>
        %eq3A_213 = arith.cmpi eq, %gather3A_212, %convert_element_type3A_38 : vector<16xi32>
        %ge3A_214 = arith.constant 7 : i32
        %ge3A_215 = vector.broadcast %ge3A_214 : i32 to vector<16xi32>
        %ge3A_216 = arith.cmpi sge, %iota3A, %ge3A_215 : vector<16xi32>
        %and3A_217 = arith.andi %eq3A_213, %ge3A_216 : vector<16xi1>
        %jit3A_218 = arith.constant 1 : i32
        %jit3A_219 = arith.constant 0 : i32
        %broadcast_in_dim3A_220 = vector.broadcast %jit3A_218 : i32 to vector<16xi32>
        %broadcast_in_dim3A_221 = vector.broadcast %jit3A_219 : i32 to vector<16xi32>
        %select_n3A_222 = arith.select %and3A_217, %broadcast_in_dim3A_220, %broadcast_in_dim3A_221 : vector<16xi1>, vector<16xi32>
        %add3A_223 = arith.addi %add3A_196, %select_n3A_222 : vector<16xi32>
        %sub3A_224 = arith.constant 8 : i32
        %sub3A_225 = vector.broadcast %sub3A_224 : i32 to vector<16xi32>
        %sub3A_226 = arith.subi %iota3A, %sub3A_225 : vector<16xi32>
        %and3A_227 = arith.constant 15 : i32
        %and3A_228 = vector.broadcast %and3A_227 : i32 to vector<16xi32>
        %and3A_229 = arith.andi %sub3A_226, %and3A_228 : vector<16xi32>
        %lt3A_230 = arith.constant 0 : i32
        %lt3A_231 = vector.broadcast %lt3A_230 : i32 to vector<16xi32>
        %lt3A_232 = arith.cmpi slt, %and3A_229, %lt3A_231 : vector<16xi32>
        %add3A_233 = arith.constant 16 : i32
        %add3A_234 = vector.broadcast %add3A_233 : i32 to vector<16xi32>
        %add3A_235 = arith.addi %and3A_229, %add3A_234 : vector<16xi32>
        %select_n3A_236 = arith.select %lt3A_232, %add3A_235, %and3A_229 : vector<16xi1>, vector<16xi32>
        %broadcast_in_dim3A_237 = vector.shape_cast %select_n3A_236 : vector<16xi32> to vector<16x1xi32>
        %gather3A_238 = vector.shape_cast %broadcast_in_dim3A_237 : vector<16x1xi32> to vector<16xi32>
        %gather3A_239 = tpu.dynamic_gather %convert_element_type3A_38[%gather3A_238] in [0] : vector<16xi32>, vector<16xi32> -> vector<16xi32>
        %eq3A_240 = arith.cmpi eq, %gather3A_239, %convert_element_type3A_38 : vector<16xi32>
        %ge3A_241 = arith.constant 8 : i32
        %ge3A_242 = vector.broadcast %ge3A_241 : i32 to vector<16xi32>
        %ge3A_243 = arith.cmpi sge, %iota3A, %ge3A_242 : vector<16xi32>
        %and3A_244 = arith.andi %eq3A_240, %ge3A_243 : vector<16xi1>
        %jit3A_245 = arith.constant 1 : i32
        %jit3A_246 = arith.constant 0 : i32
        %broadcast_in_dim3A_247 = vector.broadcast %jit3A_245 : i32 to vector<16xi32>
        %broadcast_in_dim3A_248 = vector.broadcast %jit3A_246 : i32 to vector<16xi32>
        %select_n3A_249 = arith.select %and3A_244, %broadcast_in_dim3A_247, %broadcast_in_dim3A_248 : vector<16xi1>, vector<16xi32>
        %add3A_250 = arith.addi %add3A_223, %select_n3A_249 : vector<16xi32>
        %sub3A_251 = arith.constant 9 : i32
        %sub3A_252 = vector.broadcast %sub3A_251 : i32 to vector<16xi32>
        %sub3A_253 = arith.subi %iota3A, %sub3A_252 : vector<16xi32>
        %and3A_254 = arith.constant 15 : i32
        %and3A_255 = vector.broadcast %and3A_254 : i32 to vector<16xi32>
        %and3A_256 = arith.andi %sub3A_253, %and3A_255 : vector<16xi32>
        %lt3A_257 = arith.constant 0 : i32
        %lt3A_258 = vector.broadcast %lt3A_257 : i32 to vector<16xi32>
        %lt3A_259 = arith.cmpi slt, %and3A_256, %lt3A_258 : vector<16xi32>
        %add3A_260 = arith.constant 16 : i32
        %add3A_261 = vector.broadcast %add3A_260 : i32 to vector<16xi32>
        %add3A_262 = arith.addi %and3A_256, %add3A_261 : vector<16xi32>
        %select_n3A_263 = arith.select %lt3A_259, %add3A_262, %and3A_256 : vector<16xi1>, vector<16xi32>
        %broadcast_in_dim3A_264 = vector.shape_cast %select_n3A_263 : vector<16xi32> to vector<16x1xi32>
        %gather3A_265 = vector.shape_cast %broadcast_in_dim3A_264 : vector<16x1xi32> to vector<16xi32>
        %gather3A_266 = tpu.dynamic_gather %convert_element_type3A_38[%gather3A_265] in [0] : vector<16xi32>, vector<16xi32> -> vector<16xi32>
        %eq3A_267 = arith.cmpi eq, %gather3A_266, %convert_element_type3A_38 : vector<16xi32>
        %ge3A_268 = arith.constant 9 : i32
        %ge3A_269 = vector.broadcast %ge3A_268 : i32 to vector<16xi32>
        %ge3A_270 = arith.cmpi sge, %iota3A, %ge3A_269 : vector<16xi32>
        %and3A_271 = arith.andi %eq3A_267, %ge3A_270 : vector<16xi1>
        %jit3A_272 = arith.constant 1 : i32
        %jit3A_273 = arith.constant 0 : i32
        %broadcast_in_dim3A_274 = vector.broadcast %jit3A_272 : i32 to vector<16xi32>
        %broadcast_in_dim3A_275 = vector.broadcast %jit3A_273 : i32 to vector<16xi32>
        %select_n3A_276 = arith.select %and3A_271, %broadcast_in_dim3A_274, %broadcast_in_dim3A_275 : vector<16xi1>, vector<16xi32>
        %add3A_277 = arith.addi %add3A_250, %select_n3A_276 : vector<16xi32>
        %sub3A_278 = arith.constant 10 : i32
        %sub3A_279 = vector.broadcast %sub3A_278 : i32 to vector<16xi32>
        %sub3A_280 = arith.subi %iota3A, %sub3A_279 : vector<16xi32>
        %and3A_281 = arith.constant 15 : i32
        %and3A_282 = vector.broadcast %and3A_281 : i32 to vector<16xi32>
        %and3A_283 = arith.andi %sub3A_280, %and3A_282 : vector<16xi32>
        %lt3A_284 = arith.constant 0 : i32
        %lt3A_285 = vector.broadcast %lt3A_284 : i32 to vector<16xi32>
        %lt3A_286 = arith.cmpi slt, %and3A_283, %lt3A_285 : vector<16xi32>
        %add3A_287 = arith.constant 16 : i32
        %add3A_288 = vector.broadcast %add3A_287 : i32 to vector<16xi32>
        %add3A_289 = arith.addi %and3A_283, %add3A_288 : vector<16xi32>
        %select_n3A_290 = arith.select %lt3A_286, %add3A_289, %and3A_283 : vector<16xi1>, vector<16xi32>
        %broadcast_in_dim3A_291 = vector.shape_cast %select_n3A_290 : vector<16xi32> to vector<16x1xi32>
        %gather3A_292 = vector.shape_cast %broadcast_in_dim3A_291 : vector<16x1xi32> to vector<16xi32>
        %gather3A_293 = tpu.dynamic_gather %convert_element_type3A_38[%gather3A_292] in [0] : vector<16xi32>, vector<16xi32> -> vector<16xi32>
        %eq3A_294 = arith.cmpi eq, %gather3A_293, %convert_element_type3A_38 : vector<16xi32>
        %ge3A_295 = arith.constant 10 : i32
        %ge3A_296 = vector.broadcast %ge3A_295 : i32 to vector<16xi32>
        %ge3A_297 = arith.cmpi sge, %iota3A, %ge3A_296 : vector<16xi32>
        %and3A_298 = arith.andi %eq3A_294, %ge3A_297 : vector<16xi1>
        %jit3A_299 = arith.constant 1 : i32
        %jit3A_300 = arith.constant 0 : i32
        %broadcast_in_dim3A_301 = vector.broadcast %jit3A_299 : i32 to vector<16xi32>
        %broadcast_in_dim3A_302 = vector.broadcast %jit3A_300 : i32 to vector<16xi32>
        %select_n3A_303 = arith.select %and3A_298, %broadcast_in_dim3A_301, %broadcast_in_dim3A_302 : vector<16xi1>, vector<16xi32>
        %add3A_304 = arith.addi %add3A_277, %select_n3A_303 : vector<16xi32>
        %sub3A_305 = arith.constant 11 : i32
        %sub3A_306 = vector.broadcast %sub3A_305 : i32 to vector<16xi32>
        %sub3A_307 = arith.subi %iota3A, %sub3A_306 : vector<16xi32>
        %and3A_308 = arith.constant 15 : i32
        %and3A_309 = vector.broadcast %and3A_308 : i32 to vector<16xi32>
        %and3A_310 = arith.andi %sub3A_307, %and3A_309 : vector<16xi32>
        %lt3A_311 = arith.constant 0 : i32
        %lt3A_312 = vector.broadcast %lt3A_311 : i32 to vector<16xi32>
        %lt3A_313 = arith.cmpi slt, %and3A_310, %lt3A_312 : vector<16xi32>
        %add3A_314 = arith.constant 16 : i32
        %add3A_315 = vector.broadcast %add3A_314 : i32 to vector<16xi32>
        %add3A_316 = arith.addi %and3A_310, %add3A_315 : vector<16xi32>
        %select_n3A_317 = arith.select %lt3A_313, %add3A_316, %and3A_310 : vector<16xi1>, vector<16xi32>
        %broadcast_in_dim3A_318 = vector.shape_cast %select_n3A_317 : vector<16xi32> to vector<16x1xi32>
        %gather3A_319 = vector.shape_cast %broadcast_in_dim3A_318 : vector<16x1xi32> to vector<16xi32>
        %gather3A_320 = tpu.dynamic_gather %convert_element_type3A_38[%gather3A_319] in [0] : vector<16xi32>, vector<16xi32> -> vector<16xi32>
        %eq3A_321 = arith.cmpi eq, %gather3A_320, %convert_element_type3A_38 : vector<16xi32>
        %ge3A_322 = arith.constant 11 : i32
        %ge3A_323 = vector.broadcast %ge3A_322 : i32 to vector<16xi32>
        %ge3A_324 = arith.cmpi sge, %iota3A, %ge3A_323 : vector<16xi32>
        %and3A_325 = arith.andi %eq3A_321, %ge3A_324 : vector<16xi1>
        %jit3A_326 = arith.constant 1 : i32
        %jit3A_327 = arith.constant 0 : i32
        %broadcast_in_dim3A_328 = vector.broadcast %jit3A_326 : i32 to vector<16xi32>
        %broadcast_in_dim3A_329 = vector.broadcast %jit3A_327 : i32 to vector<16xi32>
        %select_n3A_330 = arith.select %and3A_325, %broadcast_in_dim3A_328, %broadcast_in_dim3A_329 : vector<16xi1>, vector<16xi32>
        %add3A_331 = arith.addi %add3A_304, %select_n3A_330 : vector<16xi32>
        %sub3A_332 = arith.constant 12 : i32
        %sub3A_333 = vector.broadcast %sub3A_332 : i32 to vector<16xi32>
        %sub3A_334 = arith.subi %iota3A, %sub3A_333 : vector<16xi32>
        %and3A_335 = arith.constant 15 : i32
        %and3A_336 = vector.broadcast %and3A_335 : i32 to vector<16xi32>
        %and3A_337 = arith.andi %sub3A_334, %and3A_336 : vector<16xi32>
        %lt3A_338 = arith.constant 0 : i32
        %lt3A_339 = vector.broadcast %lt3A_338 : i32 to vector<16xi32>
        %lt3A_340 = arith.cmpi slt, %and3A_337, %lt3A_339 : vector<16xi32>
        %add3A_341 = arith.constant 16 : i32
        %add3A_342 = vector.broadcast %add3A_341 : i32 to vector<16xi32>
        %add3A_343 = arith.addi %and3A_337, %add3A_342 : vector<16xi32>
        %select_n3A_344 = arith.select %lt3A_340, %add3A_343, %and3A_337 : vector<16xi1>, vector<16xi32>
        %broadcast_in_dim3A_345 = vector.shape_cast %select_n3A_344 : vector<16xi32> to vector<16x1xi32>
        %gather3A_346 = vector.shape_cast %broadcast_in_dim3A_345 : vector<16x1xi32> to vector<16xi32>
        %gather3A_347 = tpu.dynamic_gather %convert_element_type3A_38[%gather3A_346] in [0] : vector<16xi32>, vector<16xi32> -> vector<16xi32>
        %eq3A_348 = arith.cmpi eq, %gather3A_347, %convert_element_type3A_38 : vector<16xi32>
        %ge3A_349 = arith.constant 12 : i32
        %ge3A_350 = vector.broadcast %ge3A_349 : i32 to vector<16xi32>
        %ge3A_351 = arith.cmpi sge, %iota3A, %ge3A_350 : vector<16xi32>
        %and3A_352 = arith.andi %eq3A_348, %ge3A_351 : vector<16xi1>
        %jit3A_353 = arith.constant 1 : i32
        %jit3A_354 = arith.constant 0 : i32
        %broadcast_in_dim3A_355 = vector.broadcast %jit3A_353 : i32 to vector<16xi32>
        %broadcast_in_dim3A_356 = vector.broadcast %jit3A_354 : i32 to vector<16xi32>
        %select_n3A_357 = arith.select %and3A_352, %broadcast_in_dim3A_355, %broadcast_in_dim3A_356 : vector<16xi1>, vector<16xi32>
        %add3A_358 = arith.addi %add3A_331, %select_n3A_357 : vector<16xi32>
        %sub3A_359 = arith.constant 13 : i32
        %sub3A_360 = vector.broadcast %sub3A_359 : i32 to vector<16xi32>
        %sub3A_361 = arith.subi %iota3A, %sub3A_360 : vector<16xi32>
        %and3A_362 = arith.constant 15 : i32
        %and3A_363 = vector.broadcast %and3A_362 : i32 to vector<16xi32>
        %and3A_364 = arith.andi %sub3A_361, %and3A_363 : vector<16xi32>
        %lt3A_365 = arith.constant 0 : i32
        %lt3A_366 = vector.broadcast %lt3A_365 : i32 to vector<16xi32>
        %lt3A_367 = arith.cmpi slt, %and3A_364, %lt3A_366 : vector<16xi32>
        %add3A_368 = arith.constant 16 : i32
        %add3A_369 = vector.broadcast %add3A_368 : i32 to vector<16xi32>
        %add3A_370 = arith.addi %and3A_364, %add3A_369 : vector<16xi32>
        %select_n3A_371 = arith.select %lt3A_367, %add3A_370, %and3A_364 : vector<16xi1>, vector<16xi32>
        %broadcast_in_dim3A_372 = vector.shape_cast %select_n3A_371 : vector<16xi32> to vector<16x1xi32>
        %gather3A_373 = vector.shape_cast %broadcast_in_dim3A_372 : vector<16x1xi32> to vector<16xi32>
        %gather3A_374 = tpu.dynamic_gather %convert_element_type3A_38[%gather3A_373] in [0] : vector<16xi32>, vector<16xi32> -> vector<16xi32>
        %eq3A_375 = arith.cmpi eq, %gather3A_374, %convert_element_type3A_38 : vector<16xi32>
        %ge3A_376 = arith.constant 13 : i32
        %ge3A_377 = vector.broadcast %ge3A_376 : i32 to vector<16xi32>
        %ge3A_378 = arith.cmpi sge, %iota3A, %ge3A_377 : vector<16xi32>
        %and3A_379 = arith.andi %eq3A_375, %ge3A_378 : vector<16xi1>
        %jit3A_380 = arith.constant 1 : i32
        %jit3A_381 = arith.constant 0 : i32
        %broadcast_in_dim3A_382 = vector.broadcast %jit3A_380 : i32 to vector<16xi32>
        %broadcast_in_dim3A_383 = vector.broadcast %jit3A_381 : i32 to vector<16xi32>
        %select_n3A_384 = arith.select %and3A_379, %broadcast_in_dim3A_382, %broadcast_in_dim3A_383 : vector<16xi1>, vector<16xi32>
        %add3A_385 = arith.addi %add3A_358, %select_n3A_384 : vector<16xi32>
        %sub3A_386 = arith.constant 14 : i32
        %sub3A_387 = vector.broadcast %sub3A_386 : i32 to vector<16xi32>
        %sub3A_388 = arith.subi %iota3A, %sub3A_387 : vector<16xi32>
        %and3A_389 = arith.constant 15 : i32
        %and3A_390 = vector.broadcast %and3A_389 : i32 to vector<16xi32>
        %and3A_391 = arith.andi %sub3A_388, %and3A_390 : vector<16xi32>
        %lt3A_392 = arith.constant 0 : i32
        %lt3A_393 = vector.broadcast %lt3A_392 : i32 to vector<16xi32>
        %lt3A_394 = arith.cmpi slt, %and3A_391, %lt3A_393 : vector<16xi32>
        %add3A_395 = arith.constant 16 : i32
        %add3A_396 = vector.broadcast %add3A_395 : i32 to vector<16xi32>
        %add3A_397 = arith.addi %and3A_391, %add3A_396 : vector<16xi32>
        %select_n3A_398 = arith.select %lt3A_394, %add3A_397, %and3A_391 : vector<16xi1>, vector<16xi32>
        %broadcast_in_dim3A_399 = vector.shape_cast %select_n3A_398 : vector<16xi32> to vector<16x1xi32>
        %gather3A_400 = vector.shape_cast %broadcast_in_dim3A_399 : vector<16x1xi32> to vector<16xi32>
        %gather3A_401 = tpu.dynamic_gather %convert_element_type3A_38[%gather3A_400] in [0] : vector<16xi32>, vector<16xi32> -> vector<16xi32>
        %eq3A_402 = arith.cmpi eq, %gather3A_401, %convert_element_type3A_38 : vector<16xi32>
        %ge3A_403 = arith.constant 14 : i32
        %ge3A_404 = vector.broadcast %ge3A_403 : i32 to vector<16xi32>
        %ge3A_405 = arith.cmpi sge, %iota3A, %ge3A_404 : vector<16xi32>
        %and3A_406 = arith.andi %eq3A_402, %ge3A_405 : vector<16xi1>
        %jit3A_407 = arith.constant 1 : i32
        %jit3A_408 = arith.constant 0 : i32
        %broadcast_in_dim3A_409 = vector.broadcast %jit3A_407 : i32 to vector<16xi32>
        %broadcast_in_dim3A_410 = vector.broadcast %jit3A_408 : i32 to vector<16xi32>
        %select_n3A_411 = arith.select %and3A_406, %broadcast_in_dim3A_409, %broadcast_in_dim3A_410 : vector<16xi1>, vector<16xi32>
        %add3A_412 = arith.addi %add3A_385, %select_n3A_411 : vector<16xi32>
        %sub3A_413 = arith.constant 15 : i32
        %sub3A_414 = vector.broadcast %sub3A_413 : i32 to vector<16xi32>
        %sub3A_415 = arith.subi %iota3A, %sub3A_414 : vector<16xi32>
        %and3A_416 = arith.constant 15 : i32
        %and3A_417 = vector.broadcast %and3A_416 : i32 to vector<16xi32>
        %and3A_418 = arith.andi %sub3A_415, %and3A_417 : vector<16xi32>
        %lt3A_419 = arith.constant 0 : i32
        %lt3A_420 = vector.broadcast %lt3A_419 : i32 to vector<16xi32>
        %lt3A_421 = arith.cmpi slt, %and3A_418, %lt3A_420 : vector<16xi32>
        %add3A_422 = arith.constant 16 : i32
        %add3A_423 = vector.broadcast %add3A_422 : i32 to vector<16xi32>
        %add3A_424 = arith.addi %and3A_418, %add3A_423 : vector<16xi32>
        %select_n3A_425 = arith.select %lt3A_421, %add3A_424, %and3A_418 : vector<16xi1>, vector<16xi32>
        %broadcast_in_dim3A_426 = vector.shape_cast %select_n3A_425 : vector<16xi32> to vector<16x1xi32>
        %gather3A_427 = vector.shape_cast %broadcast_in_dim3A_426 : vector<16x1xi32> to vector<16xi32>
        %gather3A_428 = tpu.dynamic_gather %convert_element_type3A_38[%gather3A_427] in [0] : vector<16xi32>, vector<16xi32> -> vector<16xi32>
        %eq3A_429 = arith.cmpi eq, %gather3A_428, %convert_element_type3A_38 : vector<16xi32>
        %ge3A_430 = arith.constant 15 : i32
        %ge3A_431 = vector.broadcast %ge3A_430 : i32 to vector<16xi32>
        %ge3A_432 = arith.cmpi sge, %iota3A, %ge3A_431 : vector<16xi32>
        %and3A_433 = arith.andi %eq3A_429, %ge3A_432 : vector<16xi1>
        %jit3A_434 = arith.constant 1 : i32
        %jit3A_435 = arith.constant 0 : i32
        %broadcast_in_dim3A_436 = vector.broadcast %jit3A_434 : i32 to vector<16xi32>
        %broadcast_in_dim3A_437 = vector.broadcast %jit3A_435 : i32 to vector<16xi32>
        %select_n3A_438 = arith.select %and3A_433, %broadcast_in_dim3A_436, %broadcast_in_dim3A_437 : vector<16xi1>, vector<16xi32>
        %add3A_439 = arith.addi %add3A_412, %select_n3A_438 : vector<16xi32>
        %add3A_440 = arith.addi %gather3A, %add3A_439 : vector<16xi32>
        %mul3A_441 = arith.constant 16 : i32
        %mul3A_442 = arith.muli %scan3A_34, %mul3A_441 : i32
        %add3A_443 = vector.broadcast %mul3A_442 : i32 to vector<16xi32>
        %add3A_444 = arith.addi %iota3A, %add3A_443 : vector<16xi32>
        %convert_element_type3A_445 = arith.sitofp %add3A_444 : vector<16xi32> to vector<16xf32>
        tpu.vector_store_idx %arg6[%add3A_440], %convert_element_type3A_445 : memref<2048xf32, #tpu.memory_space<vmem>>[vector<16xi32>], vector<16xf32>,
        %div3A = vector.broadcast %reduce_sum3A_19 : f32 to vector<16xf32>
        %div3A_446 = arith.divf %get3A_37, %div3A : vector<16xf32>
        tpu.vector_store_idx %arg7[%add3A_440], %div3A_446 : memref<2048xf32, #tpu.memory_space<vmem>>[vector<16xi32>], vector<16xf32>,
        tpu.vector_store_idx %arg5[%convert_element_type3A_38], %broadcast_in_dim3A_3 {add = true} : memref<16400xi32, #tpu.memory_space<vmem>>[vector<16xi32>], vector<16xi32>,
      }
      %scan3A_32 = arith.constant 128 : i32
      %run_scoped3A = arith.constant 0 : i32
      "tpu.region"() ({
        %run_scoped3A_34 = tpu.sem_alloc : memref<!tpu.dma_semaphore, #tpu.memory_space<semaphore_mem>>
        %dma_start3A = arith.constant 0 : i32
        %dma_start3A_35 = tpu.memref_slice %arg3[%add3A, %run_scoped3A, %dma_start3A] : memref<8x2x2048xf32, #tpu.memory_space<hbm>> -> memref<1x1x2048xf32, #tpu.memory_space<hbm>>
        %dma_start3A_36 = tpu.memref_squeeze %dma_start3A_35 : memref<1x1x2048xf32, #tpu.memory_space<hbm>> -> memref<2048xf32, #tpu.memory_space<hbm>>
        %dma_start3A_37 = arith.constant 0 : i32
        %dma_start3A_38 = tpu.memref_slice %arg3[%add3A, %run_scoped3A, %dma_start3A_37] : memref<8x2x2048xf32, #tpu.memory_space<hbm>> -> memref<1x1x2048xf32, #tpu.memory_space<hbm>>
        %dma_start3A_39 = tpu.memref_squeeze %dma_start3A_38 : memref<1x1x2048xf32, #tpu.memory_space<hbm>> -> memref<2048xf32, #tpu.memory_space<hbm>>
        tpu.enqueue_dma source(%arg6 : memref<2048xf32, #tpu.memory_space<vmem>>) target(%dma_start3A_39 : memref<2048xf32, #tpu.memory_space<hbm>>) target_semaphore(%run_scoped3A_34 : memref<!tpu.dma_semaphore, #tpu.memory_space<semaphore_mem>>)
        %dma_wait3A = arith.constant 0 : i32
        %dma_wait3A_40 = tpu.memref_slice %arg3[%add3A, %run_scoped3A, %dma_wait3A] : memref<8x2x2048xf32, #tpu.memory_space<hbm>> -> memref<1x1x2048xf32, #tpu.memory_space<hbm>>
        %dma_wait3A_41 = tpu.memref_squeeze %dma_wait3A_40 : memref<1x1x2048xf32, #tpu.memory_space<hbm>> -> memref<2048xf32, #tpu.memory_space<hbm>>
        %dma_wait3A_42 = arith.constant 0 : i32
        %dma_wait3A_43 = tpu.memref_slice %arg3[%add3A, %run_scoped3A, %dma_wait3A_42] : memref<8x2x2048xf32, #tpu.memory_space<hbm>> -> memref<1x1x2048xf32, #tpu.memory_space<hbm>>
        %dma_wait3A_44 = tpu.memref_squeeze %dma_wait3A_43 : memref<1x1x2048xf32, #tpu.memory_space<hbm>> -> memref<2048xf32, #tpu.memory_space<hbm>>
        tpu.wait_dma2 semaphore(%run_scoped3A_34 : memref<!tpu.dma_semaphore, #tpu.memory_space<semaphore_mem>>) src(%arg6 : memref<2048xf32, #tpu.memory_space<vmem>>) dst(%dma_wait3A_44 : memref<2048xf32, #tpu.memory_space<hbm>>)
        tpu.yield
      }) : () -> ()
      %run_scoped3A_33 = arith.constant 1 : i32
      "tpu.region"() ({
        %run_scoped3A_34 = tpu.sem_alloc : memref<!tpu.dma_semaphore, #tpu.memory_space<semaphore_mem>>
        %dma_start3A = arith.constant 0 : i32
        %dma_start3A_35 = tpu.memref_slice %arg3[%add3A, %run_scoped3A_33, %dma_start3A] : memref<8x2x2048xf32, #tpu.memory_space<hbm>> -> memref<1x1x2048xf32, #tpu.memory_space<hbm>>
        %dma_start3A_36 = tpu.memref_squeeze %dma_start3A_35 : memref<1x1x2048xf32, #tpu.memory_space<hbm>> -> memref<2048xf32, #tpu.memory_space<hbm>>
        %dma_start3A_37 = arith.constant 0 : i32
        %dma_start3A_38 = tpu.memref_slice %arg3[%add3A, %run_scoped3A_33, %dma_start3A_37] : memref<8x2x2048xf32, #tpu.memory_space<hbm>> -> memref<1x1x2048xf32, #tpu.memory_space<hbm>>
        %dma_start3A_39 = tpu.memref_squeeze %dma_start3A_38 : memref<1x1x2048xf32, #tpu.memory_space<hbm>> -> memref<2048xf32, #tpu.memory_space<hbm>>
        tpu.enqueue_dma source(%arg7 : memref<2048xf32, #tpu.memory_space<vmem>>) target(%dma_start3A_39 : memref<2048xf32, #tpu.memory_space<hbm>>) target_semaphore(%run_scoped3A_34 : memref<!tpu.dma_semaphore, #tpu.memory_space<semaphore_mem>>)
        %dma_wait3A = arith.constant 0 : i32
        %dma_wait3A_40 = tpu.memref_slice %arg3[%add3A, %run_scoped3A_33, %dma_wait3A] : memref<8x2x2048xf32, #tpu.memory_space<hbm>> -> memref<1x1x2048xf32, #tpu.memory_space<hbm>>
        %dma_wait3A_41 = tpu.memref_squeeze %dma_wait3A_40 : memref<1x1x2048xf32, #tpu.memory_space<hbm>> -> memref<2048xf32, #tpu.memory_space<hbm>>
        %dma_wait3A_42 = arith.constant 0 : i32
        %dma_wait3A_43 = tpu.memref_slice %arg3[%add3A, %run_scoped3A_33, %dma_wait3A_42] : memref<8x2x2048xf32, #tpu.memory_space<hbm>> -> memref<1x1x2048xf32, #tpu.memory_space<hbm>>
        %dma_wait3A_44 = tpu.memref_squeeze %dma_wait3A_43 : memref<1x1x2048xf32, #tpu.memory_space<hbm>> -> memref<2048xf32, #tpu.memory_space<hbm>>
        tpu.wait_dma2 semaphore(%run_scoped3A_34 : memref<!tpu.dma_semaphore, #tpu.memory_space<semaphore_mem>>) src(%arg7 : memref<2048xf32, #tpu.memory_space<vmem>>) dst(%dma_wait3A_44 : memref<2048xf32, #tpu.memory_space<hbm>>)
        tpu.yield
      }) : () -> ()
    } else {
    }
    return
  }
}

module attributes {stable_mosaic.version = 14 : i64} {
  func.func @_stage1_body(%arg0: i32, %arg1: memref<512x2048xf32, #tpu.memory_space<vmem>>, %arg2: memref<8x512xf32, #tpu.memory_space<vmem>>, %arg3: memref<8x2048xf32, #tpu.memory_space<vmem>>) attributes {dimension_semantics = [#tpu.dimension_semantics<arbitrary>], iteration_bounds = array<i64: 32>, scalar_prefetch = 0 : i64, scratch_operands = 0 : i64, tpu.core_type = #tpu.core_type<tc>, window_params = [{transform_indices = @transform_0, window_bounds = array<i64: 512, 2048>}, {transform_indices = @transform_1, window_bounds = array<i64: 8, 512>}, {pipeline_mode = #tpu.pipeline_mode<synchronous>, transform_indices = @transform_2, window_bounds = array<i64: 8, 2048>}]} {
    %get3A = arith.constant 0 : index
    %get3A_0 = arith.constant 0 : index
    %get3A_1 = vector.load %arg1[%get3A, %get3A_0] : memref<512x2048xf32, #tpu.memory_space<vmem>>, vector<512x2048xf32>
    %iota3A = tpu.iota {dimensions = array<i32: 1>} : vector<512x2048xi32>
    %bitcast_convert_type3A = arith.constant 1.050000e+00 : f32
    %bitcast_convert_type3A_2 = arith.bitcast %bitcast_convert_type3A : f32 to i32
    %add3A = arith.constant 4194304 : i32
    %add3A_3 = arith.addi %bitcast_convert_type3A_2, %add3A : i32
    %gt3A = arith.constant 1.050000e+00 : f32
    %gt3A_4 = vector.broadcast %gt3A : f32 to vector<512x2048xf32>
    %gt3A_5 = arith.cmpf ogt, %get3A_1, %gt3A_4 : vector<512x2048xf32>
    %convert_element_type3A = arith.extui %gt3A_5 : vector<512x2048xi1> to vector<512x2048xi32>
    %reduce_sum3A = arith.constant dense<0> : vector<512xi32>
    %reduce_sum3A_6 = vector.multi_reduction <add>, %convert_element_type3A, %reduce_sum3A [1] : vector<512x2048xi32> to vector<512xi32>
    %broadcast_in_dim3A = vector.shape_cast %reduce_sum3A_6 : vector<512xi32> to vector<512x1xi32>
    %ge3A = arith.constant 204 : i32
    %ge3A_7 = vector.broadcast %ge3A : i32 to vector<512x1xi32>
    %ge3A_8 = arith.cmpi sge, %broadcast_in_dim3A, %ge3A_7 : vector<512x1xi32>
    %bitcast_convert_type3A_9 = arith.bitcast %add3A_3 : i32 to f32
    %gt3A_10 = vector.broadcast %bitcast_convert_type3A_9 : f32 to vector<512x2048xf32>
    %gt3A_11 = arith.cmpf ogt, %get3A_1, %gt3A_10 : vector<512x2048xf32>
    %convert_element_type3A_12 = arith.extui %gt3A_11 : vector<512x2048xi1> to vector<512x2048xi32>
    %reduce_sum3A_13 = arith.constant dense<0> : vector<512xi32>
    %reduce_sum3A_14 = vector.multi_reduction <add>, %convert_element_type3A_12, %reduce_sum3A_13 [1] : vector<512x2048xi32> to vector<512xi32>
    %broadcast_in_dim3A_15 = vector.shape_cast %reduce_sum3A_14 : vector<512xi32> to vector<512x1xi32>
    %lt3A = arith.constant 204 : i32
    %lt3A_16 = vector.broadcast %lt3A : i32 to vector<512x1xi32>
    %lt3A_17 = arith.cmpi slt, %broadcast_in_dim3A_15, %lt3A_16 : vector<512x1xi32>
    %broadcast_in_dim3A_18 = arith.constant -2147483648 : i32
    %broadcast_in_dim3A_19 = vector.broadcast %broadcast_in_dim3A_18 : i32 to vector<512x1xi32>
    %broadcast_in_dim3A_20 = arith.constant 2147483647 : i32
    %broadcast_in_dim3A_21 = vector.broadcast %broadcast_in_dim3A_20 : i32 to vector<512x1xi32>
    %broadcast_in_dim3A_22 = vector.broadcast %bitcast_convert_type3A_2 : i32 to vector<512x1xi32>
    %select_n3A = arith.select %ge3A_8, %broadcast_in_dim3A_22, %broadcast_in_dim3A_19 : vector<512x1xi1>, vector<512x1xi32>
    %broadcast_in_dim3A_23 = vector.broadcast %add3A_3 : i32 to vector<512x1xi32>
    %select_n3A_24 = arith.select %lt3A_17, %broadcast_in_dim3A_23, %broadcast_in_dim3A_21 : vector<512x1xi1>, vector<512x1xi32>
    %scan3A = arith.constant 0 : i32
    %scan3A_25 = arith.constant 11 : i32
    %scan3A_26 = arith.addi %scan3A, %scan3A_25 : i32
    %scan3A_27 = arith.constant 1 : i32
    %scan3A_28:2 = scf.for %scan3A_106 = %scan3A to %scan3A_26 step %scan3A_27 iter_args(%scan3A_107 = %select_n3A, %scan3A_108 = %select_n3A_24) -> (vector<512x1xi32>, vector<512x1xi32>)  : i32 {
      %and3A_109 = arith.andi %scan3A_107, %scan3A_108 : vector<512x1xi32>
      %xor3A_110 = arith.xori %scan3A_107, %scan3A_108 : vector<512x1xi32>
      %shift_right_arithmetic3A = arith.constant 1 : i32
      %shift_right_arithmetic3A_111 = vector.broadcast %shift_right_arithmetic3A : i32 to vector<512x1xi32>
      %shift_right_arithmetic3A_112 = arith.shrsi %xor3A_110, %shift_right_arithmetic3A_111 : vector<512x1xi32>
      %add3A_113 = arith.addi %and3A_109, %shift_right_arithmetic3A_112 : vector<512x1xi32>
      %lt3A_114 = arith.constant 0 : i32
      %lt3A_115 = vector.broadcast %lt3A_114 : i32 to vector<512x1xi32>
      %lt3A_116 = arith.cmpi slt, %add3A_113, %lt3A_115 : vector<512x1xi32>
      %xor3A_117 = arith.constant 2147483647 : i32
      %xor3A_118 = vector.broadcast %xor3A_117 : i32 to vector<512x1xi32>
      %xor3A_119 = arith.xori %add3A_113, %xor3A_118 : vector<512x1xi32>
      %select_n3A_120 = arith.select %lt3A_116, %xor3A_119, %add3A_113 : vector<512x1xi1>, vector<512x1xi32>
      %bitcast_convert_type3A_121 = tpu.bitcast %select_n3A_120 : vector<512x1xi32> -> vector<512x1xf32>
      %gt3A_122 = vector.broadcast %bitcast_convert_type3A_121 : vector<512x1xf32> to vector<512x2048xf32>
      %gt3A_123 = arith.cmpf ogt, %get3A_1, %gt3A_122 : vector<512x2048xf32>
      %convert_element_type3A_124 = arith.extui %gt3A_123 : vector<512x2048xi1> to vector<512x2048xi32>
      %reduce_sum3A_125 = arith.constant dense<0> : vector<512xi32>
      %reduce_sum3A_126 = vector.multi_reduction <add>, %convert_element_type3A_124, %reduce_sum3A_125 [1] : vector<512x2048xi32> to vector<512xi32>
      %broadcast_in_dim3A_127 = vector.shape_cast %reduce_sum3A_126 : vector<512xi32> to vector<512x1xi32>
      %ge3A_128 = arith.constant 204 : i32
      %ge3A_129 = vector.broadcast %ge3A_128 : i32 to vector<512x1xi32>
      %ge3A_130 = arith.cmpi sge, %broadcast_in_dim3A_127, %ge3A_129 : vector<512x1xi32>
      %select_n3A_131 = arith.select %ge3A_130, %add3A_113, %scan3A_107 : vector<512x1xi1>, vector<512x1xi32>
      %select_n3A_132 = arith.select %ge3A_130, %scan3A_108, %add3A_113 : vector<512x1xi1>, vector<512x1xi32>
      %and3A_133 = arith.andi %select_n3A_131, %select_n3A_132 : vector<512x1xi32>
      %xor3A_134 = arith.xori %select_n3A_131, %select_n3A_132 : vector<512x1xi32>
      %shift_right_arithmetic3A_135 = arith.constant 1 : i32
      %shift_right_arithmetic3A_136 = vector.broadcast %shift_right_arithmetic3A_135 : i32 to vector<512x1xi32>
      %shift_right_arithmetic3A_137 = arith.shrsi %xor3A_134, %shift_right_arithmetic3A_136 : vector<512x1xi32>
      %add3A_138 = arith.addi %and3A_133, %shift_right_arithmetic3A_137 : vector<512x1xi32>
      %lt3A_139 = arith.constant 0 : i32
      %lt3A_140 = vector.broadcast %lt3A_139 : i32 to vector<512x1xi32>
      %lt3A_141 = arith.cmpi slt, %add3A_138, %lt3A_140 : vector<512x1xi32>
      %xor3A_142 = arith.constant 2147483647 : i32
      %xor3A_143 = vector.broadcast %xor3A_142 : i32 to vector<512x1xi32>
      %xor3A_144 = arith.xori %add3A_138, %xor3A_143 : vector<512x1xi32>
      %select_n3A_145 = arith.select %lt3A_141, %xor3A_144, %add3A_138 : vector<512x1xi1>, vector<512x1xi32>
      %bitcast_convert_type3A_146 = tpu.bitcast %select_n3A_145 : vector<512x1xi32> -> vector<512x1xf32>
      %gt3A_147 = vector.broadcast %bitcast_convert_type3A_146 : vector<512x1xf32> to vector<512x2048xf32>
      %gt3A_148 = arith.cmpf ogt, %get3A_1, %gt3A_147 : vector<512x2048xf32>
      %convert_element_type3A_149 = arith.extui %gt3A_148 : vector<512x2048xi1> to vector<512x2048xi32>
      %reduce_sum3A_150 = arith.constant dense<0> : vector<512xi32>
      %reduce_sum3A_151 = vector.multi_reduction <add>, %convert_element_type3A_149, %reduce_sum3A_150 [1] : vector<512x2048xi32> to vector<512xi32>
      %broadcast_in_dim3A_152 = vector.shape_cast %reduce_sum3A_151 : vector<512xi32> to vector<512x1xi32>
      %ge3A_153 = arith.constant 204 : i32
      %ge3A_154 = vector.broadcast %ge3A_153 : i32 to vector<512x1xi32>
      %ge3A_155 = arith.cmpi sge, %broadcast_in_dim3A_152, %ge3A_154 : vector<512x1xi32>
      %select_n3A_156 = arith.select %ge3A_155, %add3A_138, %select_n3A_131 : vector<512x1xi1>, vector<512x1xi32>
      %select_n3A_157 = arith.select %ge3A_155, %select_n3A_132, %add3A_138 : vector<512x1xi1>, vector<512x1xi32>
      scf.yield %select_n3A_156, %select_n3A_157 : vector<512x1xi32>, vector<512x1xi32>
    }
    %add3A_29 = arith.constant 1 : i32
    %add3A_30 = vector.broadcast %add3A_29 : i32 to vector<512x1xi32>
    %add3A_31 = arith.addi %scan3A_28#0, %add3A_30 : vector<512x1xi32>
    %ne3A = arith.cmpi ne, %scan3A_28#1, %add3A_31 : vector<512x1xi32>
    %reduce_or3A = arith.constant 1.000000e+00 : f32
    %reduce_or3A_32 = arith.constant 0.000000e+00 : f32
    %reduce_or3A_33 = vector.broadcast %reduce_or3A : f32 to vector<512x1xf32>
    %reduce_or3A_34 = vector.broadcast %reduce_or3A_32 : f32 to vector<512x1xf32>
    %reduce_or3A_35 = arith.select %ne3A, %reduce_or3A_33, %reduce_or3A_34 : vector<512x1xi1>, vector<512x1xf32>
    %reduce_or3A_36 = vector.shape_cast %reduce_or3A_35 : vector<512x1xf32> to vector<1x512x1xf32>
    %reduce_or3A_37 = arith.constant dense<0xFF800000> : vector<1xf32>
    %reduce_or3A_38 = vector.multi_reduction <maximumf>, %reduce_or3A_36, %reduce_or3A_37 [1, 2] : vector<1x512x1xf32> to vector<1xf32>
    %reduce_or3A_39 = vector.shape_cast %reduce_or3A_38 : vector<1xf32> to vector<1x1x1xf32>
    %reduce_or3A_40 = vector.extract %reduce_or3A_39[0, 0, 0] : f32 from vector<1x1x1xf32>
    %reduce_or3A_41 = arith.constant 0.000000e+00 : f32
    %reduce_or3A_42 = arith.cmpf ogt, %reduce_or3A_40, %reduce_or3A_41 : f32
    %convert_element_type3A_43 = arith.extui %reduce_or3A_42 : i1 to i32
    %cond3A = arith.constant 0 : i32
    %cond3A_44 = arith.cmpi ne, %convert_element_type3A_43, %cond3A : i32
    %cond3A_45 = scf.if %cond3A_44 -> (vector<512x1xi32>) {
      %scan3A_106 = arith.constant 0 : i32
      %scan3A_107 = arith.constant 16 : i32
      %scan3A_108 = arith.addi %scan3A_106, %scan3A_107 : i32
      %scan3A_109 = arith.constant 1 : i32
      %scan3A_110:2 = scf.for %scan3A_111 = %scan3A_106 to %scan3A_108 step %scan3A_109 iter_args(%scan3A_112 = %scan3A_28#0, %scan3A_113 = %scan3A_28#1) -> (vector<512x1xi32>, vector<512x1xi32>)  : i32 {
        %and3A_114 = arith.andi %scan3A_112, %scan3A_113 : vector<512x1xi32>
        %xor3A_115 = arith.xori %scan3A_112, %scan3A_113 : vector<512x1xi32>
        %shift_right_arithmetic3A = arith.constant 1 : i32
        %shift_right_arithmetic3A_116 = vector.broadcast %shift_right_arithmetic3A : i32 to vector<512x1xi32>
        %shift_right_arithmetic3A_117 = arith.shrsi %xor3A_115, %shift_right_arithmetic3A_116 : vector<512x1xi32>
        %add3A_118 = arith.addi %and3A_114, %shift_right_arithmetic3A_117 : vector<512x1xi32>
        %lt3A_119 = arith.constant 0 : i32
        %lt3A_120 = vector.broadcast %lt3A_119 : i32 to vector<512x1xi32>
        %lt3A_121 = arith.cmpi slt, %add3A_118, %lt3A_120 : vector<512x1xi32>
        %xor3A_122 = arith.constant 2147483647 : i32
        %xor3A_123 = vector.broadcast %xor3A_122 : i32 to vector<512x1xi32>
        %xor3A_124 = arith.xori %add3A_118, %xor3A_123 : vector<512x1xi32>
        %select_n3A_125 = arith.select %lt3A_121, %xor3A_124, %add3A_118 : vector<512x1xi1>, vector<512x1xi32>
        %bitcast_convert_type3A_126 = tpu.bitcast %select_n3A_125 : vector<512x1xi32> -> vector<512x1xf32>
        %gt3A_127 = vector.broadcast %bitcast_convert_type3A_126 : vector<512x1xf32> to vector<512x2048xf32>
        %gt3A_128 = arith.cmpf ogt, %get3A_1, %gt3A_127 : vector<512x2048xf32>
        %convert_element_type3A_129 = arith.extui %gt3A_128 : vector<512x2048xi1> to vector<512x2048xi32>
        %reduce_sum3A_130 = arith.constant dense<0> : vector<512xi32>
        %reduce_sum3A_131 = vector.multi_reduction <add>, %convert_element_type3A_129, %reduce_sum3A_130 [1] : vector<512x2048xi32> to vector<512xi32>
        %broadcast_in_dim3A_132 = vector.shape_cast %reduce_sum3A_131 : vector<512xi32> to vector<512x1xi32>
        %ge3A_133 = arith.constant 204 : i32
        %ge3A_134 = vector.broadcast %ge3A_133 : i32 to vector<512x1xi32>
        %ge3A_135 = arith.cmpi sge, %broadcast_in_dim3A_132, %ge3A_134 : vector<512x1xi32>
        %select_n3A_136 = arith.select %ge3A_135, %add3A_118, %scan3A_112 : vector<512x1xi1>, vector<512x1xi32>
        %select_n3A_137 = arith.select %ge3A_135, %scan3A_113, %add3A_118 : vector<512x1xi1>, vector<512x1xi32>
        %and3A_138 = arith.andi %select_n3A_136, %select_n3A_137 : vector<512x1xi32>
        %xor3A_139 = arith.xori %select_n3A_136, %select_n3A_137 : vector<512x1xi32>
        %shift_right_arithmetic3A_140 = arith.constant 1 : i32
        %shift_right_arithmetic3A_141 = vector.broadcast %shift_right_arithmetic3A_140 : i32 to vector<512x1xi32>
        %shift_right_arithmetic3A_142 = arith.shrsi %xor3A_139, %shift_right_arithmetic3A_141 : vector<512x1xi32>
        %add3A_143 = arith.addi %and3A_138, %shift_right_arithmetic3A_142 : vector<512x1xi32>
        %lt3A_144 = arith.constant 0 : i32
        %lt3A_145 = vector.broadcast %lt3A_144 : i32 to vector<512x1xi32>
        %lt3A_146 = arith.cmpi slt, %add3A_143, %lt3A_145 : vector<512x1xi32>
        %xor3A_147 = arith.constant 2147483647 : i32
        %xor3A_148 = vector.broadcast %xor3A_147 : i32 to vector<512x1xi32>
        %xor3A_149 = arith.xori %add3A_143, %xor3A_148 : vector<512x1xi32>
        %select_n3A_150 = arith.select %lt3A_146, %xor3A_149, %add3A_143 : vector<512x1xi1>, vector<512x1xi32>
        %bitcast_convert_type3A_151 = tpu.bitcast %select_n3A_150 : vector<512x1xi32> -> vector<512x1xf32>
        %gt3A_152 = vector.broadcast %bitcast_convert_type3A_151 : vector<512x1xf32> to vector<512x2048xf32>
        %gt3A_153 = arith.cmpf ogt, %get3A_1, %gt3A_152 : vector<512x2048xf32>
        %convert_element_type3A_154 = arith.extui %gt3A_153 : vector<512x2048xi1> to vector<512x2048xi32>
        %reduce_sum3A_155 = arith.constant dense<0> : vector<512xi32>
        %reduce_sum3A_156 = vector.multi_reduction <add>, %convert_element_type3A_154, %reduce_sum3A_155 [1] : vector<512x2048xi32> to vector<512xi32>
        %broadcast_in_dim3A_157 = vector.shape_cast %reduce_sum3A_156 : vector<512xi32> to vector<512x1xi32>
        %ge3A_158 = arith.constant 204 : i32
        %ge3A_159 = vector.broadcast %ge3A_158 : i32 to vector<512x1xi32>
        %ge3A_160 = arith.cmpi sge, %broadcast_in_dim3A_157, %ge3A_159 : vector<512x1xi32>
        %select_n3A_161 = arith.select %ge3A_160, %add3A_143, %select_n3A_136 : vector<512x1xi1>, vector<512x1xi32>
        %select_n3A_162 = arith.select %ge3A_160, %select_n3A_137, %add3A_143 : vector<512x1xi1>, vector<512x1xi32>
        scf.yield %select_n3A_161, %select_n3A_162 : vector<512x1xi32>, vector<512x1xi32>
      }
      scf.yield %scan3A_110#1 : vector<512x1xi32>
    } else {
      scf.yield %scan3A_28#1 : vector<512x1xi32>
    }
    %lt3A_46 = arith.constant 0 : i32
    %lt3A_47 = vector.broadcast %lt3A_46 : i32 to vector<512x1xi32>
    %lt3A_48 = arith.cmpi slt, %cond3A_45, %lt3A_47 : vector<512x1xi32>
    %xor3A = arith.constant 2147483647 : i32
    %xor3A_49 = vector.broadcast %xor3A : i32 to vector<512x1xi32>
    %xor3A_50 = arith.xori %cond3A_45, %xor3A_49 : vector<512x1xi32>
    %select_n3A_51 = arith.select %lt3A_48, %xor3A_50, %cond3A_45 : vector<512x1xi1>, vector<512x1xi32>
    %bitcast_convert_type3A_52 = tpu.bitcast %select_n3A_51 : vector<512x1xi32> -> vector<512x1xf32>
    %gt3A_53 = vector.broadcast %bitcast_convert_type3A_52 : vector<512x1xf32> to vector<512x2048xf32>
    %gt3A_54 = arith.cmpf ogt, %get3A_1, %gt3A_53 : vector<512x2048xf32>
    %eq3A = vector.broadcast %bitcast_convert_type3A_52 : vector<512x1xf32> to vector<512x2048xf32>
    %eq3A_55 = arith.cmpf oeq, %get3A_1, %eq3A : vector<512x2048xf32>
    %convert_element_type3A_56 = arith.extui %gt3A_54 : vector<512x2048xi1> to vector<512x2048xi32>
    %reduce_sum3A_57 = arith.constant dense<0> : vector<512xi32>
    %reduce_sum3A_58 = vector.multi_reduction <add>, %convert_element_type3A_56, %reduce_sum3A_57 [1] : vector<512x2048xi32> to vector<512xi32>
    %broadcast_in_dim3A_59 = vector.shape_cast %reduce_sum3A_58 : vector<512xi32> to vector<512x1xi32>
    %convert_element_type3A_60 = arith.extui %eq3A_55 : vector<512x2048xi1> to vector<512x2048xi32>
    %reduce_sum3A_61 = arith.constant dense<0> : vector<512xi32>
    %reduce_sum3A_62 = vector.multi_reduction <add>, %convert_element_type3A_60, %reduce_sum3A_61 [1] : vector<512x2048xi32> to vector<512xi32>
    %broadcast_in_dim3A_63 = vector.shape_cast %reduce_sum3A_62 : vector<512xi32> to vector<512x1xi32>
    %sub3A = arith.constant 204 : i32
    %sub3A_64 = vector.broadcast %sub3A : i32 to vector<512x1xi32>
    %sub3A_65 = arith.subi %sub3A_64, %broadcast_in_dim3A_59 : vector<512x1xi32>
    %gt3A_66 = arith.constant 0 : i32
    %gt3A_67 = vector.broadcast %gt3A_66 : i32 to vector<512x1xi32>
    %gt3A_68 = arith.cmpi sgt, %sub3A_65, %gt3A_67 : vector<512x1xi32>
    %lt3A_69 = arith.cmpi slt, %sub3A_65, %broadcast_in_dim3A_63 : vector<512x1xi32>
    %and3A = arith.andi %gt3A_68, %lt3A_69 : vector<512x1xi1>
    %reduce_or3A_70 = arith.constant 1.000000e+00 : f32
    %reduce_or3A_71 = arith.constant 0.000000e+00 : f32
    %reduce_or3A_72 = vector.broadcast %reduce_or3A_70 : f32 to vector<512x1xf32>
    %reduce_or3A_73 = vector.broadcast %reduce_or3A_71 : f32 to vector<512x1xf32>
    %reduce_or3A_74 = arith.select %and3A, %reduce_or3A_72, %reduce_or3A_73 : vector<512x1xi1>, vector<512x1xf32>
    %reduce_or3A_75 = vector.shape_cast %reduce_or3A_74 : vector<512x1xf32> to vector<1x512x1xf32>
    %reduce_or3A_76 = arith.constant dense<0xFF800000> : vector<1xf32>
    %reduce_or3A_77 = vector.multi_reduction <maximumf>, %reduce_or3A_75, %reduce_or3A_76 [1, 2] : vector<1x512x1xf32> to vector<1xf32>
    %reduce_or3A_78 = vector.shape_cast %reduce_or3A_77 : vector<1xf32> to vector<1x1x1xf32>
    %reduce_or3A_79 = vector.extract %reduce_or3A_78[0, 0, 0] : f32 from vector<1x1x1xf32>
    %reduce_or3A_80 = arith.constant 0.000000e+00 : f32
    %reduce_or3A_81 = arith.cmpf ogt, %reduce_or3A_79, %reduce_or3A_80 : f32
    %convert_element_type3A_82 = arith.extui %reduce_or3A_81 : i1 to i32
    %cond3A_83 = arith.constant 0 : i32
    %cond3A_84 = arith.cmpi ne, %convert_element_type3A_82, %cond3A_83 : i32
    %cond3A_85 = scf.if %cond3A_84 -> (vector<512x1xi32>) {
      %broadcast_in_dim3A_106 = arith.constant 0 : i32
      %broadcast_in_dim3A_107 = vector.broadcast %broadcast_in_dim3A_106 : i32 to vector<512x1xi32>
      %broadcast_in_dim3A_108 = arith.constant 2049 : i32
      %broadcast_in_dim3A_109 = vector.broadcast %broadcast_in_dim3A_108 : i32 to vector<512x1xi32>
      %scan3A_110 = arith.constant 0 : i32
      %scan3A_111 = arith.constant 12 : i32
      %scan3A_112 = arith.addi %scan3A_110, %scan3A_111 : i32
      %scan3A_113 = arith.constant 1 : i32
      %scan3A_114:2 = scf.for %scan3A_115 = %scan3A_110 to %scan3A_112 step %scan3A_113 iter_args(%scan3A_116 = %broadcast_in_dim3A_107, %scan3A_117 = %broadcast_in_dim3A_109) -> (vector<512x1xi32>, vector<512x1xi32>)  : i32 {
        %add3A_118 = arith.addi %scan3A_116, %scan3A_117 : vector<512x1xi32>
        %shift_right_arithmetic3A = arith.constant 1 : i32
        %shift_right_arithmetic3A_119 = vector.broadcast %shift_right_arithmetic3A : i32 to vector<512x1xi32>
        %shift_right_arithmetic3A_120 = arith.shrsi %add3A_118, %shift_right_arithmetic3A_119 : vector<512x1xi32>
        %lt3A_121 = vector.broadcast %shift_right_arithmetic3A_120 : vector<512x1xi32> to vector<512x2048xi32>
        %lt3A_122 = arith.cmpi slt, %iota3A, %lt3A_121 : vector<512x2048xi32>
        %and3A_123 = arith.andi %eq3A_55, %lt3A_122 : vector<512x2048xi1>
        %convert_element_type3A_124 = arith.extui %and3A_123 : vector<512x2048xi1> to vector<512x2048xi32>
        %reduce_sum3A_125 = arith.constant dense<0> : vector<512xi32>
        %reduce_sum3A_126 = vector.multi_reduction <add>, %convert_element_type3A_124, %reduce_sum3A_125 [1] : vector<512x2048xi32> to vector<512xi32>
        %broadcast_in_dim3A_127 = vector.shape_cast %reduce_sum3A_126 : vector<512xi32> to vector<512x1xi32>
        %le3A = arith.cmpi sle, %broadcast_in_dim3A_127, %sub3A_65 : vector<512x1xi32>
        %select_n3A_128 = arith.select %le3A, %shift_right_arithmetic3A_120, %scan3A_116 : vector<512x1xi1>, vector<512x1xi32>
        %select_n3A_129 = arith.select %le3A, %scan3A_117, %shift_right_arithmetic3A_120 : vector<512x1xi1>, vector<512x1xi32>
        scf.yield %select_n3A_128, %select_n3A_129 : vector<512x1xi32>, vector<512x1xi32>
      }
      scf.yield %scan3A_114#0 : vector<512x1xi32>
    } else {
      %eq3A_106 = arith.cmpi eq, %sub3A_65, %broadcast_in_dim3A_63 : vector<512x1xi32>
      %jit3A = arith.constant 2048 : i32
      %jit3A_107 = arith.constant 0 : i32
      %broadcast_in_dim3A_108 = vector.broadcast %jit3A : i32 to vector<512x1xi32>
      %broadcast_in_dim3A_109 = vector.broadcast %jit3A_107 : i32 to vector<512x1xi32>
      %select_n3A_110 = arith.select %eq3A_106, %broadcast_in_dim3A_108, %broadcast_in_dim3A_109 : vector<512x1xi1>, vector<512x1xi32>
      scf.yield %select_n3A_110 : vector<512x1xi32>
    }
    %lt3A_86 = vector.broadcast %cond3A_85 : vector<512x1xi32> to vector<512x2048xi32>
    %lt3A_87 = arith.cmpi slt, %iota3A, %lt3A_86 : vector<512x2048xi32>
    %and3A_88 = arith.andi %eq3A_55, %lt3A_87 : vector<512x2048xi1>
    %or3A = arith.ori %gt3A_54, %and3A_88 : vector<512x2048xi1>
    %convert_element_type3A_89 = arith.extui %or3A : vector<512x2048xi1> to vector<512x2048xi32>
    %convert_element_type3A_90 = arith.sitofp %convert_element_type3A_89 : vector<512x2048xi32> to vector<512x2048xf32>
    %get3A_91 = arith.constant 0 : index
    %get3A_92 = arith.constant 0 : index
    %get3A_93 = vector.load %arg2[%get3A_91, %get3A_92] : memref<8x512xf32, #tpu.memory_space<vmem>>, vector<8x512xf32>
    %dot_general3A = arith.constant dense<0.000000e+00> : vector<8x2048xf32>
    %dot_general3A_94 = tpu.matmul %get3A_93, %convert_element_type3A_90, %dot_general3A {dimension_numbers = #tpu.dot_dimension_numbers<[1], [0], [0], [1], [0, 0, 1, 1], [], []>, transpose_lhs_hint = false} : vector<8x512xf32>, vector<512x2048xf32>, vector<8x2048xf32> -> vector<8x2048xf32>
    %eq3A_95 = arith.constant 0 : i32
    %eq3A_96 = arith.cmpi eq, %arg0, %eq3A_95 : i32
    %convert_element_type3A_97 = arith.extui %eq3A_96 : i1 to i32
    %cond3A_98 = arith.constant 0 : i32
    %cond3A_99 = arith.cmpi ne, %convert_element_type3A_97, %cond3A_98 : i32
    scf.if %cond3A_99 {
      %broadcast_in_dim3A_106 = arith.constant 0.000000e+00 : f32
      %broadcast_in_dim3A_107 = vector.broadcast %broadcast_in_dim3A_106 : f32 to vector<8x2048xf32>
      %swap3A_108 = arith.constant 0 : index
      %swap3A_109 = arith.constant 0 : index
      %swap3A_110 = vector.load %arg3[%swap3A_108, %swap3A_109] : memref<8x2048xf32, #tpu.memory_space<vmem>>, vector<8x2048xf32>
      tpu.vector_store %arg3[%swap3A_108, %swap3A_109], %broadcast_in_dim3A_107 {strides = array<i32>} : memref<8x2048xf32, #tpu.memory_space<vmem>>, vector<8x2048xf32>,
    } else {
    }
    %get3A_100 = arith.constant 0 : index
    %get3A_101 = arith.constant 0 : index
    %get3A_102 = vector.load %arg3[%get3A_100, %get3A_101] : memref<8x2048xf32, #tpu.memory_space<vmem>>, vector<8x2048xf32>
    %add3A_103 = arith.addf %get3A_102, %dot_general3A_94 : vector<8x2048xf32>
    %swap3A = arith.constant 0 : index
    %swap3A_104 = arith.constant 0 : index
    %swap3A_105 = vector.load %arg3[%swap3A, %swap3A_104] : memref<8x2048xf32, #tpu.memory_space<vmem>>, vector<8x2048xf32>
    tpu.vector_store %arg3[%swap3A, %swap3A_104], %add3A_103 {strides = array<i32>} : memref<8x2048xf32, #tpu.memory_space<vmem>>, vector<8x2048xf32>,
    return
  }
  func.func @transform_0(%arg0: i32) -> (i32, i32) {
    %c0_i32 = arith.constant 0 : i32
    %c0_i32_0 = arith.constant 0 : i32
    return %arg0, %c0_i32 : i32, i32
  }
  func.func @transform_1(%arg0: i32) -> (i32, i32) {
    %c0_i32 = arith.constant 0 : i32
    %c0_i32_0 = arith.constant 0 : i32
    return %c0_i32, %arg0 : i32, i32
  }
  func.func @transform_2(%arg0: i32) -> (i32, i32) {
    %c0_i32 = arith.constant 0 : i32
    %c0_i32_0 = arith.constant 0 : i32
    %c0_i32_1 = arith.constant 0 : i32
    return %c0_i32, %c0_i32_0 : i32, i32
  }
}

</mosaic_0001>

<sc_bundles>
// kernel: kernel.4.cloned.1.call-start
scs
__scs_entry_jumppad:
0x0: {  	(pc) =	sbr.rel $0x88, $3  }
0x1: {  	(tag) =	ssettag $0x0;
	lr =	simm.s32 $0x1  }
0x2: {  	[smem:$0x3F9F] =	sst lr;
	_ =	strace $0xD0000000  }
0x3: {  	_ = 	snop  }
0x4: {  	_ = 	snop  }
0x5: {  	_ = 	snop  }
0x6: {  	_ = 	snop  }
0x7: {  	_ = 	snop  }
__scs_overlays_trampoline_lowered:
0x8: {  	[smem:$0x3FAE] =	sst s0  }
0x9: {  	[smem:$0x3FAF] =	sst s1  }
0xa: {  	[smem:$0x3FB0] =	sst s2  }
0xb: {  	[smem:$0x3FB1] =	sst s3  }
0xc: {  	[smem:$0x3FB2] =	sst s4  }
0xd: {  	[smem:$0x3FB3] =	sst s5  }
0xe: {  	[smem:$0x3FB4] =	sst s6  }
0xf: {  	[smem:$0x3FB5] =	sst s7  }
0x10: {  	[smem:$0x3FB6] =	sst s8  }
0x11: {  	[smem:$0x3FB7] =	sst s9;
	s0 =	simm.s32 @!p0 $0x0  }
0x12: {  	s1 =	sld [smem:$0x3F9D];
	s0 =	simm.s32 @p0 $0x1  }
0x13: {  	[smem:$0x3FB8] =	sst s0;
	s0 =	simm.s32 @!p1 $0x0  }
0x14: {  	s2 =	sld [smem:$0x3F9C];
	s0 =	simm.s32 @p1 $0x1  }
0x15: {  	[smem:$0x3FB9] =	sst s0;
	s0 =	simm.s32 @!p2 $0x0  }
0x16: {  	s3 =	sld [smem:$0x3FDB];
	s0 =	simm.s32 @p2 $0x1  }
0x17: {  	s4 =	simm.s32 $0x1BF5;
	[smem:$0x3FBB] =	sst s0  }
0x18: {  	s0 =	sld [smem:$0x3F9E];
	_ =	swait.ge [sflag:s4], $0x0  }
0x19: {  	s7 =	sld [smem:$0x3F9F]  }
0x1a: {  	s8 =	sadd.s32 $0xFFFFE003, lr  }
0x1b: {  	s9 =	sadd.s32 $0xFFFFFEF7, lr;
	s5 =	simm.s32 $0xFFFFFFFF;
	p2 =	slt.u32 s8, $0xFFFFF086  }
0x1c: {  	p1 =	slt.u32 s9, $0xF7A;
	s5 =	simm.s32 @!p2 $0x0  }
0x1d: {  	s5 =	simm.s32 @p1 $0x1;
	p0 =	seq.s32 s7, s2  }
0x1e: {  	s7 =	smul.u32 @!p0 $0xF7A, s2;
	p2 =	seq.s32 @!p0 s5, $0x0  }
0x1f: {  	s9 =	smul.u32 $0xF7A, s1;
	s8 =	simm.s32 @!p0 $0x1BF5;
	p2 =	por !p2, p0  }
0x20: {  	[sflag:s8] =	ssyncset.s32 @!p0 $0xFFFFF086;
	s6 =	sadd.s32 @!p0 s3, s7;
	s7 =	simm.s32 @!p0 $0x108  }
0x21: {  	s3 =	sadd.s32 s3, s9;
	s6 =	sadd.s32 @!p0 $0x88, s6;
	s7 =	simm.s32 @p2 $0x1082  }
0x22: {  	[simem:s7], [sflag:s8] =	dma.local @!p0 [hbm:s6], $0xF7A  }
0x23: {  	s9 =	sor.u32 $0xD0000000, s2;
	s6 =	simm.s32 $0x108;
	_ =	swait.ge @!p0 [sflag:s8], $0x0  }
0x24: {  	s3 =	sadd.s32 $0x88, s3;
	s6 =	simm.s32 @!p1 $0x1082;
	[sflag:s4] =	ssyncset.s32 $0xFFFFF086  }
0x25: {  	[simem:s6], [sflag:s4] =	dma.local [hbm:s3], $0xF7A  }
0x26: {  	[smem:$0x3F9F] =	sst s1;
	(tag) =	ssettag s2;
	_ =	strace s9  }
0x27: {  	s1 =	sld [smem:$0x3FAF]  }
0x28: {  	s2 =	sld [smem:$0x3FB0]  }
0x29: {  	s4 =	sld [smem:$0x3FB2]  }
0x2a: {  	p0 =	seq.s32 s5, $0x0;
	s5 =	sld [smem:$0x3FB3]  }
0x2b: {  	s6 =	sld [smem:$0x3FB4]  }
0x2c: {  	s7 =	sld [smem:$0x3FB5]  }
0x2d: {  	s3 =	simm.s32 $0x108;
	s8 =	sld [smem:$0x3FB6]  }
0x2e: {  	s3 =	simm.s32 @!p0 $0x1082;
	s9 =	sld [smem:$0x3FB7]  }
0x2f: {  	lr =	sadd.s32 s0, s3;
	s0 =	sld [smem:$0x3FAE]  }
0x30: {  	s3 =	sld [smem:$0x3FB1]  }
0x31: {  	[smem:$0x3FBA] =	sst s10  }
0x32: {  	s10 =	sld [smem:$0x3FB8];
	_ =	sdelay $0x3  }
0x33: {  	p0 =	seq.s32 s10, $0x1;
	s10 =	sld [smem:$0x3FBA];
	_ =	sdelay $0x3  }
0x34: {  	[smem:$0x3FBA] =	sst s10  }
0x35: {  	s10 =	sld [smem:$0x3FB9];
	_ =	sdelay $0x3  }
0x36: {  	p1 =	seq.s32 s10, $0x1;
	s10 =	sld [smem:$0x3FBA];
	_ =	sdelay $0x3  }
0x37: {  	[smem:$0x3FBA] =	sst s10  }
0x38: {  	s10 =	sld [smem:$0x3FBB]  }
0x39: {  	_ = 	snop;
	(pc) =	sbr.ind lr, $3  }
0x3a: {  	_ = 	snop  }
0x3b: {  	_ = 	snop  }
0x3c: {  	p2 =	seq.s32 s10, $0x1;
	s10 =	sld [smem:$0x3FBA]  }
0x3d: {  	_ =	shalt  }
0x3e: {  	_ =	shalt  }
0x3f: {  	_ =	shalt  }
0x40: {  	_ =	shalt  }
0x41: {  	_ =	shalt  }
0x42: {  	_ =	shalt  }
0x43: {  	_ =	shalt  }
0x44: {  	_ =	shalt  }
0x45: {  	_ =	shalt  }
0x46: {  	_ =	shalt  }
0x47: {  	_ =	shalt  }
0x48: {  	_ =	shalt  }
0x49: {  	_ =	shalt  }
0x4a: {  	_ =	shalt  }
0x4b: {  	_ =	shalt  }
0x4c: {  	_ =	shalt  }
0x4d: {  	_ =	shalt  }
0x4e: {  	_ =	shalt  }
0x4f: {  	_ =	shalt  }
0x50: {  	_ =	shalt  }
0x51: {  	_ =	shalt  }
0x52: {  	_ =	shalt  }
0x53: {  	_ =	shalt  }
0x54: {  	_ =	shalt  }
0x55: {  	_ =	shalt  }
0x56: {  	_ =	shalt  }
0x57: {  	_ =	shalt  }
0x58: {  	_ =	shalt  }
0x59: {  	_ =	shalt  }
0x5a: {  	_ =	shalt  }
0x5b: {  	_ =	shalt  }
0x5c: {  	_ =	shalt  }
0x5d: {  	_ =	shalt  }
0x5e: {  	_ =	shalt  }
0x5f: {  	_ =	shalt  }
0x60: {  	_ =	shalt  }
0x61: {  	_ =	shalt  }
0x62: {  	_ =	shalt  }
0x63: {  	_ =	shalt  }
0x64: {  	_ =	shalt  }
0x65: {  	_ =	shalt  }
0x66: {  	_ =	shalt  }
0x67: {  	_ =	shalt  }
0x68: {  	_ =	shalt  }
0x69: {  	_ =	shalt  }
0x6a: {  	_ =	shalt  }
0x6b: {  	_ =	shalt  }
0x6c: {  	_ =	shalt  }
0x6d: {  	_ =	shalt  }
0x6e: {  	_ =	shalt  }
0x6f: {  	_ =	shalt  }
0x70: {  	_ =	shalt  }
0x71: {  	_ =	shalt  }
0x72: {  	_ =	shalt  }
0x73: {  	_ =	shalt  }
0x74: {  	_ =	shalt  }
0x75: {  	_ =	shalt  }
0x76: {  	_ =	shalt  }
0x77: {  	_ =	shalt  }
0x78: {  	_ =	shalt  }
0x79: {  	_ =	shalt  }
0x7a: {  	_ =	shalt  }
0x7b: {  	_ =	shalt  }
0x7c: {  	_ =	shalt  }
0x7d: {  	_ =	shalt  }
0x7e: {  	_ =	shalt  }
0x7f: {  	_ =	shalt  }
0x80: {  	_ =	shalt  }
0x81: {  	_ =	shalt  }
0x82: {  	_ =	shalt  }
0x83: {  	_ =	shalt  }
0x84: {  	_ =	shalt  }
0x85: {  	_ =	shalt  }
0x86: {  	_ =	shalt  }
0x87: {  	_ =	shalt  }
.Lfunc_end0:
.L_simem_size_0:
called_computation_lowered:
.L_overlay_start_0:
0x88: {  	s2 =	sld [smem:$0x3FD9]  }
0x89: {  	s3 =	sld [smem:$0x3FFE];
	_ =	sdelay $0x1  }
0x8a: {  	s1 =	srdreg.scid  }
0x8b: {  	s0 =	sand.u32 $0x1, s1  }
0x8c: {  	s17 =	sshll.u32 s0, $0xA;
	s2 =	sadd.s32 s3, s2  }
0x8d: {  	s2 =	sadd.s32 s2, s17  }
0x8e: {  	[smem:$0x3FC6] =	sst s2  }
0x8f: {  	_ = 	snop  }
0x90: {  	s2 =	sld [smem:$0x3FD0];
	(tm) =	ssettm $0x1  }
0x91: {  	s18 =	sld [smem:$0x3FFB];
	_ =	sdelay $0x3  }
0x92: {  	_ =	strace s18  }
0x93: {  	s3 =	sld [smem:$0x3FFC];
	_ =	sdelay $0x3  }
0x94: {  	_ =	strace s3  }
0x95: {  	s3 =	sld [smem:$0x3FFD];
	_ =	sdelay $0x3  }
0x96: {  	_ =	strace s3  }
0x97: {  	_ =	strace $0x8FFFFFFF  }
0x98: {  	s19 =	sld [smem:$0x3FDB];
	_ =	sdelay $0x1  }
0x99: {  	s4 =	simm.s32 $_scs_section_size  }
0x9a: {  	s5 =	simm.s32 $_size__tile_overlayer_lowered;
	s6 =	simm.s32 $_tile_overlayer_lowered  }
0x9b: {  	s22 =	simm.s32 $0x1BFF;
	s21 =	sshll.u32 s6, $0x1;
	s3 =	sadd.s32 s4, s19  }
0x9c: {  	s7 =	simm.s32 $0x0;
	s20 =	sshll.u32 s5, $0x1;
	s5 =	sadd.s32 s21, s3  }
0x9d: {  	[timem:s7], [sflag:s22] =	dma.local [hbm:s5], s20  }
0x9e: {  	_ =	swait.ge [sflag:s22], s20  }
0x9f: {  	s4 =	ssub.s32 $0x0, s20;
	[sflag:s22] =	ssyncset.done $0x0  }
0xa0: {  	[sflag:s22] =	ssyncadd.s32 s4;
	_ =	sdelay $0x1  }
0xa1: {  	s23 =	simm.s32 $0x1B8B  }
0xa2: {  	_ =	swait.ge [sflag:s23], $0x1  }
0xa3: {  	[sflag:s23] =	ssyncset.done $0x0  }
0xa4: {  	s25 =	simm.s32 $0x1B8E;
	s24 =	sld [smem:$0x3FFE];
	[sflag:s23] =	ssyncadd.s32 $0xFFFFFFFF  }
0xa5: {  	s26 =	simm.s32 $execute0_lowered;
	[smem:$0x3FD2] =	sst s25  }
0xa6: {  	s5 =	sshll.u32 s26, $0x1;
	_ =	strace $0x80000046;
	[dreg:$0x1] =	wrdreg $0xFFFFFFFF  }
0xa7: {  	s28 =	simm.s32 $_size_execute0_lowered;
	s3 =	sadd.s32 s3, s5;
	[dreg:$0x0] =	wrdreg $0x0  }
0xa8: {  	s5 =	sshll.u32 s28, $0x1;
	[dreg:$0x2] =	wrdreg s3  }
0xa9: {  	[dreg:$0x3] =	wrdreg s5  }
0xaa: {  	[dreg:$0x4] =	wrdreg $0xC0  }
0xab: {  	_ =	task [dreg:s7], $0x5FFFF  }
0xac: {  	[dreg:$0x1] =	wrdreg $0xFFFFFFFF  }
0xad: {  	[dreg:$0x0] =	wrdreg $0x60  }
0xae: {  	[dreg:$0x2] =	wrdreg s24  }
0xaf: {  	[dreg:$0x3] =	wrdreg s2  }
0xb0: {  	[dreg:$0x4] =	wrdreg $0x9  }
0xb1: {  	_ =	task.clear_ibuf [dreg:s7], $0x5FFFF;
	_ =	strace $0x90000046  }
0xb2: {  	s29 =	simm.s32 $0x9;
	_ =	strace $0x80000048  }
0xb3: {  	_ =	swait.ge [sflag:s29], $0x1  }
0xb4: {  	[sflag:s29] =	ssyncadd.s32 $0xFFFFFFFF  }
0xb5: {  	_ =	strace $0x90000048  }
0xb6: {  	_ =	sfence  }
0xb7: {  	s30 =	sld [smem:$0x0];
	_ =	sdelay $0x2  }
0xb8: {  	s31 =	sshll.u32 s1, $0xD;
	s1 =	sshrl.u32 s1, $0x2  }
0xb9: {  	s3 =	sand.u32 $0x4000, s31;
	s1 =	sadd.s32 s1, s30  }
0xba: {  	s0 =	sor.u32 s3, s0;
	s1 =	sshll.u32 s1, $0x11  }
0xbb: {  	s0 =	sor.u32 s1, s0  }
0xbc: {  	s0 =	sadd.s32 $0x8F2B, s0  }
0xbd: {  	[sflag:s0] =	ssyncadd.remote.s32 $0x1  }
0xbe: {  	_ =	sfence.sel $0xFFFF  }
0xbf: {  	[dreg:$0x0] =	wrdreg $0xFFFFFFFF;
	(pc) =	sbr.abs _section_cstart, $3  }
0xc0: {  	[dreg:$0x1] =	wrdreg $0xFFFFFFFF  }
0xc1: {  	_ =	task.clear_ibuf [dreg:s7], $0x2FFFF;
	_ =	strace $0x9FFFFFFF  }
0xc2: {  	(tm) =	ssettm $0x7FFFFFFF  }
0xc3: {  	_ =	shalt  }
tec
execute0_lowered:
.L_overlay_start_1:
0x0: {  	(tag) =	ssettag $0x1  }
0x1: {  	s1 =	stileid.u32  }
0x2: {  	p0 =	sgt.u32 s1, $0x3  }
.Ltmp0:
0x3: {  	_ = 	snop;
	(pc) =	sbr.rel @p0 .LBB2_11-.Ltmp0, $4  }
0x4: {  	s3 =	rddreg [dreg:$0x0]  }
0x5: {  	s4 =	rddreg [dreg:$0x1];
	s2 =	simm.s32 $0x0  }
0x6: {  	[smem:$0x7FF] =	sst s2  }
0x7: {  	s0 =	rddreg [dreg:$0x2];
	_ =	strace $0x80000047  }
0x8: {  	v0 =	vimm.s32 $0xEDCBA987  }
0x9: {  	v1 =	vimm.s32 $0x6543210F;
	v2 =	vimm.s32 $0xDCBA9876;
	v3 =	vimm.s32 $0x543210FE  }
0xa: {  	v5 =	vimm.s32 $0xBA987654;
	v6 =	vimm.s32 $0x3210FEDC;
	v7 =	vimm.s32 $0xA9876543  }
0xb: {  	v8 =	vimm.s32 $0x210FEDCB;
	vm15 =	vcmask $0x3F08;
	vm4 =	vcmask $0x3F0C  }
0xc: {  	vm3 =	vcmask $0x3F10;
	v9 =	vimm.s32 $0x87654321;
	v20 =	vimm.s32 $0xFEDCBA9  }
0xd: {  	v21 =	vimm.s32 $0xFEDCBA98;
	v22 =	vimm.s32 $0x76543210;
	vm7 =	vcmask $0x3F18  }
0xe: {  	vm6 =	vcmask $0x3F1C;
	vm11 =	vcmask $0x3F20;
	vm8 =	vcmask $0x3F24  }
0xf: {  	vm10 =	vcmask $0x3F2C;
	vm9 =	vcmask $0x3F34;
	v0 =	vunpack.c.l.s4.s8 v0  }
0x10: {  	v1 =	vunpack.c.l.s4.s8 v1;
	v2 =	vunpack.c.l.s4.s8 v2;
	v3 =	vunpack.c.l.s4.s8 v3  }
0x11: {  	v5 =	vunpack.c.l.s4.s8 v5;
	v6 =	vunpack.c.l.s4.s8 v6;
	v7 =	vunpack.c.l.s4.s8 v7  }
0x12: {  	v8 =	vunpack.c.l.s4.s8 v8;
	v9 =	vunpack.c.l.s4.s8 v9;
	v20 =	vunpack.c.l.s4.s8 v20  }
0x13: {  	v21 =	vunpack.c.l.s4.s8 v21;
	v10 =	vunpack.c.0.s8.s32 v0;
	v11 =	vunpack.c.0.s8.s32 v1  }
0x14: {  	v12 =	vunpack.c.0.s8.s32 v2;
	v13 =	vunpack.c.0.s8.s32 v3;
	v2 =	vimm.s32 $0xCBA98765  }
0x15: {  	v16 =	vunpack.c.0.s8.s32 v5;
	v17 =	vunpack.c.0.s8.s32 v6;
	v18 =	vunpack.c.0.s8.s32 v7  }
0x16: {  	v19 =	vunpack.c.0.s8.s32 v8;
	v7 =	vimm.s32 $0x98765432;
	v8 =	vimm.s32 $0x10FEDCBA  }
0x17: {  	v62 =	vunpack.c.0.s8.s32 v9;
	v20 =	vunpack.c.0.s8.s32 v20;
	v9 =	vunpack.c.0.s8.s32 v21  }
0x18: {  	v4 =	vunpack.c.l.s4.s8 v2;
	v7 =	vunpack.c.l.s4.s8 v7;
	v2 =	vcombine.low v11, v10  }
0x19: {  	v8 =	vunpack.c.l.s4.s8 v8;
	v3 =	vcombine.low v13, v12;
	v5 =	vcombine.low v17, v16  }
0x1a: {  	v6 =	vcombine.low v19, v18;
	v9 =	vand.u32 $0xF, v9;
	v14 =	vunpack.c.0.s8.s32 v4  }
0x1b: {  	s5 =	srdreg.scid;
	s6 =	sshll.u32 s1, $0x1;
	s8 =	sadd.s32 $0x600, s3;
	v4 =	vimm.s32 $0x43210FED;
	v24 =	vunpack.c.0.s8.s32 v8;
	v8 =	vunpack.c.l.s4.s8 v22  }
0x1c: {  	s9 =	simm.s32 $0x1;
	s10 =	simm.s32 $0x800;
	s5 =	sand.u32 $0x1, s5;
	v10 =	vcombine.low v10, v11;
	v23 =	vunpack.c.0.s8.s32 v7;
	v4 =	vunpack.c.l.s4.s8 v4  }
0x1d: {  	s11 =	simm.s32 $0x4880;
	s12 =	simm.s32 $0x5080;
	s6 =	sor.u32 s5, s6;
	v11 =	vcombine.low v12, v13;
	v13 =	vcombine.low v16, v17;
	v63 =	vunpack.c.0.s8.s32 v8  }
0x1e: {  	s13 =	simm.s32 $0x100;
	s5 =	ssub.s32 $0x2, s5;
	s7 =	sshll.u32 s6, $0x9;
	v16 =	vcombine.low v62, v20;
	v7 =	vcombine.low v24, v23;
	v15 =	vunpack.c.0.s8.s32 v4  }
0x1f: {  	v0 =	vimm.s32 $0x0;
	s30 =	sshrl.u32 s5, $0x1;
	s31 =	sshll.u32 s6, $0x4;
	s3 =	sadd.s32 s4, s7;
	v8 =	vcombine.low v20, v62;
	v9 =	vcombine.low v9, v63  }
0x20: {  	v1 =	vimm.s32 $0x1;
	s7 =	ssub.s32 s5, s30;
	s5 =	sadd.s32 s8, s31;
	s8 =	simm.s32 $0x400;
	v4 =	vcombine.low v15, v14;
	v12 =	vcombine.low v14, v15  }
0x21: {  	s4 =	sadd.s32 $0x10, s3;
	s6 =	smax.u32 s7, $0x1;
	s7 =	simm.s32 $0x80;
	v17 =	vlaneseq.u32;
	v14 =	vcombine.low v18, v19;
	v15 =	vcombine.low v23, v24  }
.LBB2_2:
0x22: {  	s14 =	simm.s32 $0x0  }
0x23: {  	[tilespmem:s14], [sflag:$0x1] =	stream.strided.gather [hbm4b:s5+s7], $0x800, s8, s7, $0x38;
	[tilespmem:$0x5880] =	vst v63  }
0x24: {  	_ =	swait.ge [sflag:s9], $0x800  }
0x25: {  	[sflag:s9] =	ssyncset.done $0x0  }
0x26: {  	s15 =	simm.s32 $0x0;
	[sflag:s9] =	ssyncadd.s32 $0xFFFFF800  }
.LBB2_3:
0x27: {  	p0 =	sne.s32 s15, $0x10000  }
.Ltmp1:
0x28: {  	_ = 	snop;
	(pc) =	sbr.rel @p0 .LBB2_3-.Ltmp1, $3  }
0x29: {  	_ =	sdelay $0x1  }
0x2a: {  	s16 =	sshra.s32 s15, $0x2  }
0x2b: {  	s15 =	sadd.s32 $0x40, s15;
	[tilespmem:s16+$0x800] =	vst v0  }
0x2c: {  	v18 =	vimm.f32 $0.0e+00  }
.LBB2_5:
0x2d: {  	s15 =	sshra.s32 s14, $0x2  }
0x2e: {  	v19 =	vld [tilespmem:s15+$0x0];
	_ =	sdelay $0x4  }
0x2f: {  	v20 =	vtrunc.f32 v19  }
0x30: {  	v20 =	vcvt.f32.s32 v20  }
0x31: {  	p0 =	seq.s32 s14, $0x1FC0  }
.Ltmp2:
0x32: {  	_ = 	snop;
	(pc) =	sbr.rel @!p0 .LBB2_5-.Ltmp2, $2  }
0x33: {  	_ =	sdelay $0x2  }
0x34: {  	s14 =	sadd.s32 $0x40, s14;
	v18 =	vadd.f32 v19, v18;
	[tilespmem:v20+s10+$0x0] =	vst.idx.add.s32.msk $0xffff, v1  }
0x35: {  	s17 =	simm.s32 $0x4000  }
0x36: {  	v19 =	vld [tilespmem:s17+$0x800];
	_ =	sdelay $0x4  }
0x37: {  	(xrf0) =	vadd.scan.msk.s32 $0xffff, v19;
	_ =	sdelay $0x5  }
0x38: {  	v19, _, _ =	vpop (xrf0)  }
0x39: {  	s14 =	simm.s32 $0x0;
	v20 =	vbroadcast v19, $0xF;
	(v2sf) =	vpush v19, $0xF  }
0x3a: {  	v21 =	vsub.s32 s14, v19  }
0x3b: {  	v20 =	vadd.s32 v20, v21  }
0x3c: {  	s15 =	simm.s32 $0x3FF0;
	s16 =	simm.s32 $0xFF80;
	[tilespmem:s17+$0x800] =	vst v20  }
.LBB2_7:
0x3d: {  	p0 =	seq.s32 s16, $0x0;
	v19 =	vld [tilespmem:s15+$0x800];
	_ =	sdelay $0x4  }
0x3e: {  	(xrf0) =	vadd.scan.msk.s32 $0xffff, v19;
	_ =	sdelay $0x5  }
.Ltmp3:
0x3f: {  	v19, _, _ =	vpop (xrf0);
	s17 =	spop (v2sf);
	(pc) =	sbr.rel @!p0 .LBB2_7-.Ltmp3, $4  }
0x40: {  	v20 =	vbroadcast v19, $0xF;
	(v2sf) =	vpush v19, $0xF;
	s14 =	sadd.s32 s14, s17  }
0x41: {  	v19 =	vsub.s32 s14, v19  }
0x42: {  	v19 =	vadd.s32 v20, v19  }
0x43: {  	[tilespmem:s15+$0x800] =	vst v19;
	s15 =	sshra.s32 s16, $0x2;
	s16 =	sadd.s32 $0xFFFFFFC0, s16  }
0x44: {  	v19 =	vld [tilespmem:s15+$0x800];
	_ =	sdelay $0x3  }
0x45: {  	(xrf2) =	vadd.scan.msk.f32 $0xffff, v18  }
0x46: {  	(xrf0) =	vadd.scan.msk.s32 $0xffff, v19;
	_ =	sdelay $0x5  }
0x47: {  	v19, _, _ =	vpop (xrf0)  }
0x48: {  	(v2sf) =	vpush v19, $0xF;
	_ =	sdelay $0x2  }
0x49: {  	v18, _, _ =	vpop (xrf2)  }
0x4a: {  	v18 =	vbroadcast v18, $0xF;
	_ =	sdelay $0x1  }
0x4b: {  	(erf) = vrcp.f32 v18;
	_ =	sdelay $0x3  }
0x4c: {  	s16 =	spop (v2sf)  }
0x4d: {  	v20 =	vbroadcast v19, $0xF;
	s14 =	sadd.s32 s14, s16  }
0x4e: {  	v19 =	vsub.s32 s14, v19  }
0x4f: {  	v19 =	vadd.s32 v20, v19  }
0x50: {  	[tilespmem:s15+$0x800] =	vst v19;
	s15 =	simm.s32 $0x0  }
0x51: {  	s16 =	simm.s32 $0x10;
	s14 =	simm.s32 $0x0;
	v19 =	vld [tilespmem:s15+$0x0];
	v18 =	vpop (erf);
	s31 =	spop (v2sf)  }
.LBB2_9:
0x52: {  	_ =	sdelay $0x3  }
0x53: {  	v20 =	vtrunc.f32 v19  }
0x54: {  	vm12 =	vmmov vm11;
	v20 =	vcvt.f32.s32 v20  }
0x55: {  	vm11 =	vmmov vm6;
	vm6 =	vmmov vm15;
	vm13 =	vmmov vm8  }
0x56: {  	p0 =	sne.s32 s16, $0x7F0;
	vm8 =	vmmov vm3;
	v21 =	vperm.xlane v20, v11;
	v22 =	vperm.xlane v20, v14  }
0x57: {  	s15 =	sadd.s32 $0x10, s15;
	s17 =	smov.u32 s16;
	s16 =	sadd.s32 $0x10, s16;
	vm5 =	vmmov vm10;
	v23 =	vperm.xlane v20, v5;
	v24 =	vperm.xlane v20, v6  }
0x58: {  	vm10 =	vmmov vm7;
	v25 =	vperm.xlane v20, v2;
	v26 =	vperm.xlane v20, v7  }
0x59: {  	vm14 =	vcmask $0x3F14;
	v27 =	vperm.xlane v20, v3;
	v28 =	vperm.xlane v20, v4  }
0x5a: {  	v29 =	vperm.xlane v20, v10;
	v30 =	vperm.xlane v20, v12;
	vm15 =	veq.s32 v22, v20  }
0x5b: {  	vm0 =	veq.s32 v24, v20;
	v24 =	vperm.xlane v20, v9;
	vm1 =	veq.s32 v27, v20  }
0x5c: {  	vm2 =	veq.s32 v26, v20;
	vm3 =	veq.s32 v21, v20;
	vm15 =	vmand vm15, vm9  }
0x5d: {  	vm2 =	vmand vm2, vm7;
	vm7 =	veq.s32 v28, v20;
	vm0 =	vmand vm0, vm14  }
0x5e: {  	vm14 =	vcmask $0x3F28;
	v26 =	vsel vm15, $0x1, v0;
	vm15 =	veq.s32 v25, v20  }
0x5f: {  	v22 =	vld.idx.msk [tilespmem:v20+s10+$0x0], $0xffff;
	vm3 =	vmand vm3, vm14;
	vm14 =	vcmask $0x3F04;
	v21 =	vsel vm2, $0x1, v0  }
0x60: {  	vm2 =	veq.s32 v24, v20;
	v25 =	vsel vm0, $0x1, v0;
	vm0 =	vmand vm7, vm4  }
0x61: {  	vm7 =	vmmov vm10;
	vm10 =	vmmov vm5;
	vm15 =	vmand vm15, vm14  }
0x62: {  	v28 =	vsel vm3, $0x1, v0;
	vm3 =	vmmov vm8;
	v24 =	vsel vm15, $0x1, v0  }
0x63: {  	vm15 =	vmmov vm6;
	vm6 =	vmmov vm11;
	vm11 =	vmmov vm12  }
0x64: {  	vm12 =	vcmask $0x3F38;
	vm1 =	vmand vm1, vm15;
	vm2 =	vmand vm2, vm11  }
0x65: {  	v27 =	vsel vm2, $0x1, v0;
	v22 =	vadd.s32 v24, v22;
	v24 =	vsel vm1, $0x1, v0  }
0x66: {  	vm1 =	veq.s32 v23, v20;
	v22 =	vadd.s32 v24, v22;
	v24 =	vperm.xlane v20, v8  }
0x67: {  	vm8 =	vmmov vm13;
	v23 =	vsel vm0, $0x1, v0;
	vm0 =	vmand vm1, vm3  }
0x68: {  	v22 =	vadd.s32 v23, v22;
	v23 =	vsel vm0, $0x1, v0;
	vm0 =	veq.s32 v24, v20  }
0x69: {  	vm1 =	veq.s32 v29, v20;
	v22 =	vadd.s32 v23, v22;
	vm0 =	vmand vm0, vm6  }
0x6a: {  	v24 =	vperm.xlane v20, v13;
	v22 =	vadd.s32 v25, v22;
	v23 =	vsel vm0, $0x1, v0  }
0x6b: {  	vm0 =	vmand vm1, vm13;
	v21 =	vadd.s32 v21, v22;
	vm1 =	veq.s32 v30, v20  }
0x6c: {  	vm2 =	veq.s32 v24, v20;
	v24 =	vperm.xlane v20, v16;
	v21 =	vadd.s32 v23, v21  }
0x6d: {  	v22 =	vsel vm0, $0x1, v0;
	vm0 =	vmand vm1, vm5;
	vm1 =	vcmask $0x3F30  }
0x6e: {  	v23 =	vperm.xlane v20, v15;
	v21 =	vadd.s32 v27, v21;
	vm1 =	vmand vm2, vm1  }
0x6f: {  	vm2 =	vcmask $0x3F30;
	v21 =	vadd.s32 v22, v21;
	v22 =	vsel vm0, $0x1, v0  }
0x70: {  	v25 =	vsel vm1, $0x1, v0;
	vm0 =	veq.s32 v23, v20;
	v21 =	vadd.s32 v28, v21  }
0x71: {  	vm1 =	veq.s32 v24, v20;
	vm0 =	vmand vm0, vm12;
	v21 =	vadd.s32 v22, v21  }
0x72: {  	v22 =	vsel vm0, $0x1, v0;
	vm0 =	vcmask $0x3F3C;
	v21 =	vadd.s32 v25, v21  }
0x73: {  	vm0 =	vmand vm1, vm0;
	v21 =	vadd.s32 v26, v21  }
0x74: {  	v23 =	vsel vm0, $0x1, v0;
	v21 =	vadd.s32 v22, v21  }
0x75: {  	v21 =	vadd.s32 v23, v21;
	_ =	sdelay $0x1  }
0x76: {  	v22 =	vor.u32 s14, v17;
	s14 =	smov.u32 s17  }
0x77: {  	v22 =	vcvt.s32.f32 v22  }
.Ltmp4:
0x78: {  	v19 =	vmul.f32 v19, v18;
	(pc) =	sbr.rel @p0 .LBB2_9-.Ltmp4, $4  }
0x79: {  	[tilespmem:v21+s11+$0x0] =	vst.idx.msk $0xffff, v22  }
0x7a: {  	[tilespmem:v21+s12+$0x0] =	vst.idx.msk $0xffff, v19  }
0x7b: {  	[tilespmem:v20+s10+$0x0] =	vst.idx.add.s32.msk $0xffff, v1  }
0x7c: {  	v19 =	vld [tilespmem:s15+$0x0]  }
0x7d: {  	_ =	sdelay $0x3  }
0x7e: {  	v20 =	vtrunc.f32 v19  }
0x7f: {  	v20 =	vcvt.f32.s32 v20;
	_ =	sdelay $0x1  }
0x80: {  	v21 =	vperm.xlane v20, v11  }
0x81: {  	v22 =	vperm.xlane v20, v14;
	v23 =	vperm.xlane v20, v5  }
0x82: {  	v24 =	vperm.xlane v20, v6;
	v25 =	vperm.xlane v20, v2  }
0x83: {  	v26 =	vperm.xlane v20, v7;
	v27 =	vperm.xlane v20, v3  }
0x84: {  	v28 =	vperm.xlane v20, v4;
	v41 =	vperm.xlane v20, v9  }
0x85: {  	v51 =	vperm.xlane v20, v8;
	v53 =	vperm.xlane v20, v10  }
0x86: {  	vm5 =	vcmask $0x3F04;
	v30 =	vperm.xlane v20, v12;
	v54 =	vperm.xlane v20, v13  }
0x87: {  	v57 =	vperm.xlane v20, v15;
	vm0 =	veq.s32 v22, v20;
	vm1 =	veq.s32 v26, v20  }
0x88: {  	v59 =	vperm.xlane v20, v16;
	vm0 =	vmand vm0, vm9;
	vm1 =	vmand vm1, vm7  }
0x89: {  	v42 =	vsel vm0, $0x1, v0;
	vm0 =	veq.s32 v25, v20;
	v29 =	vsel vm1, $0x1, v0  }
0x8a: {  	v43 =	vld.idx.msk [tilespmem:v20+s10+$0x0], $0xffff;
	vm1 =	veq.s32 v24, v20;
	vm0 =	vmand vm0, vm5;
	vm5 =	vcmask $0x3F14  }
0x8b: {  	vm1 =	vmand vm1, vm5;
	v44 =	vsel vm0, $0x1, v0;
	vm0 =	veq.s32 v41, v20  }
0x8c: {  	v45 =	vsel vm1, $0x1, v0;
	vm1 =	veq.s32 v27, v20;
	vm0 =	vmand vm0, vm11  }
0x8d: {  	v46 =	vsel vm0, $0x1, v0;
	vm0 =	veq.s32 v28, v20;
	vm1 =	vmand vm1, vm15  }
0x8e: {  	vm5 =	vcmask $0x3F28;
	v47 =	vsel vm1, $0x1, v0;
	vm0 =	vmand vm0, vm4  }
0x8f: {  	v48 =	vadd.s32 v44, v43;
	v49 =	vsel vm0, $0x1, v0;
	vm0 =	veq.s32 v23, v20  }
0x90: {  	vm1 =	veq.s32 v21, v20;
	v21 =	vadd.s32 v47, v48;
	vm0 =	vmand vm0, vm3  }
0x91: {  	vm1 =	vmand vm1, vm5;
	v21 =	vadd.s32 v49, v21;
	v52 =	vsel vm0, $0x1, v0  }
0x92: {  	v50 =	vsel vm1, $0x1, v0;
	vm0 =	veq.s32 v51, v20;
	v21 =	vadd.s32 v52, v21  }
0x93: {  	vm1 =	veq.s32 v53, v20;
	vm0 =	vmand vm0, vm6;
	v21 =	vadd.s32 v45, v21  }
0x94: {  	v55 =	vsel vm0, $0x1, v0;
	vm0 =	vmand vm1, vm8;
	v21 =	vadd.s32 v29, v21  }
0x95: {  	vm1 =	veq.s32 v30, v20;
	v56 =	vsel vm0, $0x1, v0;
	v21 =	vadd.s32 v55, v21  }
0x96: {  	vm0 =	veq.s32 v54, v20;
	vm1 =	vmand vm1, vm10;
	v21 =	vadd.s32 v46, v21  }
0x97: {  	vm0 =	vmand vm0, vm2;
	v58 =	vsel vm1, $0x1, v0;
	v21 =	vadd.s32 v56, v21  }
0x98: {  	v60 =	vsel vm0, $0x1, v0;
	vm0 =	veq.s32 v57, v20;
	v21 =	vadd.s32 v50, v21  }
0x99: {  	vm1 =	veq.s32 v59, v20;
	vm0 =	vmand vm0, vm12;
	v21 =	vadd.s32 v58, v21  }
0x9a: {  	v61 =	vsel vm0, $0x1, v0;
	vm0 =	vcmask $0x3F3C;
	v21 =	vadd.s32 v60, v21  }
0x9b: {  	vm0 =	vmand vm1, vm0;
	v21 =	vadd.s32 v42, v21  }
0x9c: {  	v62 =	vsel vm0, $0x1, v0;
	v21 =	vadd.s32 v61, v21  }
0x9d: {  	v21 =	vadd.s32 v62, v21;
	_ =	sdelay $0x1  }
0x9e: {  	v63 =	vor.u32 s14, v17  }
0x9f: {  	v22 =	vcvt.s32.f32 v63  }
0xa0: {  	v18 =	vmul.f32 v19, v18  }
0xa1: {  	[tilespmem:v21+s11+$0x0] =	vst.idx.msk $0xffff, v22  }
0xa2: {  	[tilespmem:v21+s12+$0x0] =	vst.idx.msk $0xffff, v18  }
0xa3: {  	[tilespmem:v20+s10+$0x0] =	vst.idx.add.s32.msk $0xffff, v1  }
0xa4: {  	[hbm4b:s3+s7] =	stream.strided.scatter [tilespmem:s11], [sflag:$0x1], $0x800, s13, s7, $0x38;
	[tilespmem:$0x5880] =	vst v63  }
0xa5: {  	s2 =	sadd.s32 $0x1, s2;
	_ =	swait.ge [sflag:s9], $0x800  }
0xa6: {  	p0 =	sne.s32 s2, s6;
	[sflag:s9] =	ssyncset.done $0x0  }
.Ltmp5:
0xa7: {  	[sflag:s9] =	ssyncadd.s32 $0xFFFFF800;
	(pc) =	sbr.rel @p0 .LBB2_2-.Ltmp5, $4  }
0xa8: {  	[hbm4b:s4+s7] =	stream.strided.scatter [tilespmem:s12], [sflag:$0x1], $0x800, s13, s7, $0x38;
	[tilespmem:$0x5880] =	vst v63  }
0xa9: {  	_ =	swait.ge [sflag:s9], $0x800  }
0xaa: {  	[sflag:s9] =	ssyncset.done $0x0  }
0xab: {  	[sflag:s9] =	ssyncadd.s32 $0xFFFFF800  }
.LBB2_11:
0xac: {  	_ =	sfence.sel $0x180000  }
0xad: {  	[bflag:$0x0] =	sbarrier.arrive $0xFFFF  }
0xae: {  	p0 =	sne.s32 s1, $0x0;
	_ =	strace $0x90000047  }
0xaf: {  	s0 =	sadd.s32 @!p0 $0x100000, s0;
	[bflag:$0x2] =	sbarrier.arrive $0xFFFF  }
0xb0: {  	[sflag:s0] =	ssyncadd.tile.s32 @!p0 $0x1;
	_ =	shalt  }
.Lfunc_end2:
_tile_overlayer_lowered:
.L_overlay_start_2:
0xb1: {  	(tag) =	ssettag $0x2  }
0xb2: {  	s0 =	rddreg [dreg:$0x0];
	s2 =	stileid.u32  }
0xb3: {  	s1 =	rddreg [dreg:$0x1];
	p0 =	sne.s32 s2, $0x0  }
0xb4: {  	s3 =	rddreg [dreg:$0x2];
	[bflag:$0x3] =	sbarrier.arrive $0xFFFF;
	s2 =	simm.s32 @!p0 $0x1C01  }
0xb5: {  	[timem:s3], [sflag:s2] =	dma.local @!p0 [hbm:s0], s1  }
0xb6: {  	s0 =	simm.s32 @!p0 $0x1  }
0xb7: {  	_ =	swait.ge @!p0 [sflag:s0], s1  }
0xb8: {  	s1 =	ssub.s32 @!p0 $0x0, s1;
	[sflag:s0] =	ssyncset.done @!p0 $0x0  }
0xb9: {  	[sflag:s0] =	ssyncadd.s32 @!p0 s1  }
0xba: {  	[bflag:$0x3] =	sbarrier.arrive $0xFFFF  }
0xbb: {  	_ =	shalt  }

</sc_bundles>
